<compile_context>
chip_gen: v7x
topology: tpu7x:2x2x1
jax: 0.10.2.dev20260603
libtpu: 0.0.44.dev20260713+nightly
codegen_flags: <defaults>
</compile_context>

<pallas_src>
import functools
import math

import jax
import jax.numpy as jnp
from jax import lax
from jax.experimental import pallas as pl
from jax.experimental.pallas import tpu as pltpu
from jax.experimental.pallas import tpu_sc as plsc



_KB = 128


def _s_body(q_ref, k_ref, s_ref):
    q = q_ref[0]
    kj = k_ref[0]
    s_ref[0, 0] = lax.dot_general(
        q, kj, (((1,), (1,)), ((), ())),
        preferred_element_type=jnp.float32)


def _compute_scores(q, k):
    H, L, D = q.shape
    return pl.pallas_call(
        _s_body,
        grid=(H, L // _KB),
        in_specs=[
            pl.BlockSpec((1, L, D), lambda h, j: (h, 0, 0)),
            pl.BlockSpec((1, _KB, D), lambda h, j: (h, j, 0)),
        ],
        out_specs=pl.BlockSpec((1, 1, L, _KB), lambda h, j: (h, j, 0, 0)),
        out_shape=jax.ShapeDtypeStruct((H, L // _KB, L, _KB), jnp.float32),
    )(q, k)



_W = 128
_NWIN = 320


def _sc_gather(table, addr):
    n_sub, n_win, w = addr.shape
    mesh = plsc.VectorSubcoreMesh(
        core_axis_name="core", subcore_axis_name="subcore")

    @functools.partial(
        pl.kernel, mesh=mesh,
        out_type=jax.ShapeDtypeStruct((n_sub * n_win, w), jnp.float32),
        scratch_types=[
            pltpu.VMEM((n_win, w), jnp.int32),
            pltpu.VMEM((n_win, w), jnp.float32),
            pltpu.SemaphoreType.DMA,
            pltpu.SemaphoreType.DMA,
        ])
    def gather_kernel(x_hbm, i_hbm, o_hbm, idx_v, val_v, sem_i, sem_g):
        wid = lax.axis_index("core") * 16 + lax.axis_index("subcore")
        pltpu.async_copy(i_hbm.at[wid], idx_v, sem_i).wait()

        @pl.loop(0, n_win)
        def _fire(win):
            pltpu.async_copy(x_hbm.at[idx_v.at[win]], val_v.at[win], sem_g)

        out_slab = o_hbm.at[pl.ds(wid * n_win, n_win)]
        pltpu.make_async_copy(out_slab, val_v, sem_g).wait()
        pltpu.sync_copy(val_v, out_slab)

    return gather_kernel(table, addr)




def _m_body(qk_ref, m_ref, *, u, l_k):
    qk = qk_ref[0]
    mx = qk[0]
    sm = qk[0]
    for s in range(1, u):
        v = qk[s]
        mx = jnp.maximum(mx, v)
        sm = sm + v
    m_ref[0] = mx - sm * (1.0 / l_k)


def _compute_m(qk4):
    H, U, LB, C = qk4.shape
    return pl.pallas_call(
        functools.partial(_m_body, u=U, l_k=LB * C),
        grid=(H,),
        in_specs=[pl.BlockSpec((1, U, LB, C), lambda h: (h, 0, 0, 0))],
        out_specs=pl.BlockSpec((1, LB, C), lambda h: (h, 0, 0)),
        out_shape=jax.ShapeDtypeStruct((H, LB, C), jnp.float32),
    )(qk4)


def _topk_body(m_ref, idx_ref, *, u):
    m = m_ref[...]
    H, LB, C = m.shape
    gidx = (lax.broadcasted_iota(jnp.int32, (H, LB, C), 1) * C
            + lax.broadcasted_iota(jnp.int32, (H, LB, C), 2))
    neg = jnp.float32(-3.0e38)
    big = jnp.int32(2**30)
    for i in range(u):
        rm = jnp.max(jnp.max(m, axis=2, keepdims=True), axis=1,
                     keepdims=True)
        cand = jnp.where(m >= rm, gidx, big)
        pos = jnp.min(jnp.min(cand, axis=2, keepdims=True), axis=1,
                      keepdims=True)
        idx_ref[:, :, pl.ds(i, 1)] = pos
        m = jnp.where(gidx == pos, neg, m)


def _topk(m3, u):
    H, LB, C = m3.shape
    return pl.pallas_call(
        functools.partial(_topk_body, u=u),
        grid=(1,),
        in_specs=[pl.BlockSpec((H, LB, C), lambda i: (0, 0, 0))],
        out_specs=pl.BlockSpec((H, 1, u), lambda i: (0, 0, 0)),
        out_shape=jax.ShapeDtypeStruct((H, 1, u), jnp.int32),
    )(m3)



_CB = 128


def _ctx_body(mtc_ref, mtr_ref, q_ref, k_ref, v_ref, o_ref, *, scale):
    mt_col = mtc_ref[0]
    mt_row = mtr_ref[0]
    q = q_ref[0]
    k = k_ref[0]
    v = v_ref[0]
    L, D = q.shape
    U = mt_col.shape[0]
    f32 = jnp.float32

    oh_ul = (lax.broadcasted_iota(jnp.int32, (U, L), 1) == mt_col)
    oh_lu = (lax.broadcasted_iota(jnp.int32, (L, U), 0) == mt_row)

    qr = lax.dot_general(
        oh_ul.astype(f32), q, (((1,), (0,)), ((), ())),
        preferred_element_type=f32)

    st = lax.dot_general(
        qr, k, (((1,), (1,)), ((), ())),
        preferred_element_type=f32) * f32(scale)

    key_iota = lax.broadcasted_iota(jnp.int32, (U, L), 1)
    st = jnp.where(key_iota > mt_col, -jnp.inf, st)

    smax = jnp.max(st, axis=1, keepdims=True)
    e = jnp.exp(st - smax)
    attn = e / jnp.sum(e, axis=1, keepdims=True)

    upd = lax.dot_general(
        attn, v, (((1,), (0,)), ((), ())),
        preferred_element_type=f32)

    scat = lax.dot_general(
        oh_lu.astype(f32), upd, (((1,), (0,)), ((), ())),
        preferred_element_type=f32)

    selrow = jnp.sum(oh_lu.astype(f32), axis=1, keepdims=True) > 0

    tri = (lax.broadcasted_iota(jnp.int32, (_CB, _CB), 0)
           >= lax.broadcasted_iota(jnp.int32, (_CB, _CB), 1)).astype(f32)
    carry = jnp.zeros((1, D), f32)
    for b in range(L // _CB):
        lo = b * _CB
        blk = v[lo:lo + _CB, :]
        c = lax.dot_general(
            tri, blk, (((1,), (0,)), ((), ())),
            preferred_element_type=f32,
            precision=lax.Precision.HIGHEST) + carry
        o_ref[0, lo:lo + _CB, :] = jnp.where(
            selrow[lo:lo + _CB, :], scat[lo:lo + _CB, :], c)
        carry = carry + jnp.sum(blk, axis=0, keepdims=True)


def _ctx(mt_col3, mt_row3, q, k, v, scale):
    H, L, D = q.shape
    U = mt_col3.shape[1]
    spec_hld = pl.BlockSpec((1, L, D), lambda h: (h, 0, 0))
    return pl.pallas_call(
        functools.partial(_ctx_body, scale=scale),
        grid=(H,),
        in_specs=[
            pl.BlockSpec((1, U, 1), lambda h: (h, 0, 0)),
            pl.BlockSpec((1, 1, U), lambda h: (h, 0, 0)),
            spec_hld, spec_hld, spec_hld,
        ],
        out_specs=spec_hld,
        out_shape=jax.ShapeDtypeStruct((H, L, D), jnp.float32),
    )(mt_col3, mt_row3, q, k, v)




def kernel(queries, keys, values, attn_mask):
    B, H, L_Q, E = queries.shape
    L_K = keys.shape[2]
    factor = 5
    scale = 1.0 / math.sqrt(E)
    u_part = min(factor * math.ceil(math.log(L_K)), L_K)
    u = min(factor * math.ceil(math.log(L_Q)), L_Q)

    q0 = queries[0]
    k0 = keys[0]
    v0 = values[0]

    skey = jax.random.key(12345)
    idx = jax.random.randint(skey, (L_Q, u_part), 0, L_K)

    s_full = _compute_scores(q0, k0)

    hb = jnp.arange(H, dtype=jnp.int32)[:, None, None]
    lb = jnp.arange(L_Q, dtype=jnp.int32)[None, None, :]
    jb = (idx // _KB).astype(jnp.int32).T[None]
    cb = (idx % _KB).astype(jnp.int32).T[None]
    addr = ((hb * (L_K // _KB) + jb) * (L_Q * _KB)
            + lb * _KB + cb)
    addr = addr.reshape(32, _NWIN, _W)
    qk = _sc_gather(s_full.reshape(H * L_Q * L_K), addr)
    qk4 = qk.reshape(H, u_part, L_Q // 128, 128)

    m3 = _compute_m(qk4)
    mtop = _topk(m3, u)
    mt_col3 = mtop.reshape(H, u, 1)
    mt_row3 = mtop.reshape(H, 1, u)
    out = _ctx(mt_col3, mt_row3, q0, k0, v0, scale)
    return out[None]

# --- scband reference (transcript-rebuilt; emitter-appended) ---
"""Pipeline reference for scband-prob-attention-53815940219424 (READ-ONLY COPY).

The authoritative reference and input builder live on the scoring server;
editing this copy changes nothing except your own understanding.
"""

import jax, jax.numpy as jnp
import numpy as np
import math


def setup_inputs(seed: int = 0) -> dict:
    key = jax.random.key(seed)
    k1, k2, k3 = jax.random.split(key, 3)
    B, H, L, D = 1, 16, 2048, 128
    queries = jax.random.normal(k1, (B, H, L, D), dtype=jnp.float32)
    keys = jax.random.normal(k2, (B, H, L, D), dtype=jnp.float32)
    values = jax.random.normal(k3, (B, H, L, D), dtype=jnp.float32)
    attn_mask = jnp.zeros((1,), dtype=bool)  # unused by the module (mask built internally)
    return {"queries": queries, "keys": keys, "values": values, "attn_mask": attn_mask}


def reference(queries, keys, values, attn_mask):
    # ProbAttention(mask_flag=True, factor=5, scale=None, output_attention=False)
    B, H, L_Q, E = queries.shape
    L_K = keys.shape[2]
    factor = 5
    scale = 1.0 / math.sqrt(E)
    U_part = factor * math.ceil(math.log(L_K))
    u = factor * math.ceil(math.log(L_Q))
    U_part = U_part if U_part < L_K else L_K
    u = u if u < L_Q else L_Q

    # _prob_QK: sample U_part keys per query position (random, fixed seed for reproducibility)
    skey = jax.random.key(12345)
    index_sample = jax.random.randint(skey, (L_Q, U_part), 0, L_K)  # [L_Q, U_part]
    K_sample = keys[:, :, index_sample, :]  # [B, H, L_Q, U_part, E] (gather)
    Q_K_sample = jnp.einsum('bhle,bhlse->bhls', queries, K_sample)  # [B,H,L_Q,U_part]
    M = Q_K_sample.max(axis=-1) - Q_K_sample.sum(axis=-1) / L_K  # sparsity measure [B,H,L_Q]
    _, M_top = jax.lax.top_k(M, u)  # indices of top-u queries [B,H,u]
    Q_reduce = jnp.take_along_axis(queries, M_top[..., None], axis=2)  # [B,H,u,E]
    scores_top = jnp.einsum('bhue,bhke->bhuk', Q_reduce, keys) * scale  # [B,H,u,L_K]

    # _get_initial_context (mask_flag=True -> causal cumsum of V)
    context = jnp.cumsum(values, axis=2)  # [B,H,L_Q,D]

    # _update_context with ProbMask (causal mask gathered at selected query rows)
    causal = jnp.triu(jnp.ones((L_Q, L_K), dtype=bool), 1)
    indicator = causal[M_top]  # [B,H,u,L_K]
    scores = jnp.where(indicator, -jnp.inf, scores_top)
    attn = jax.nn.softmax(scores, axis=-1)
    update = jnp.einsum('bhuk,bhkd->bhud', attn, values)  # [B,H,u,D]
    b_idx = jnp.arange(B)[:, None, None]
    h_idx = jnp.arange(H)[None, :, None]
    context = context.at[b_idx, h_idx, M_top].set(update)  # scatter-overwrite
    return context

if __name__ == "__main__":
    import jax
    _d = setup_inputs()
    print(jax.jit(kernel)(*tuple(_d.values())))

</pallas_src>

<mosaic_0001>
#map = affine_map<(d0, d1) -> (0)>
#map1 = affine_map<(d0, d1) -> (0, 0, 0)>
#map2 = affine_map<(d0, d1) -> (0, 0)>
module attributes {stable_mosaic.version = 14 : i64} {
  func.func @gather_kernel(%arg0: i32, %arg1: i32, %arg2: memref<67108864xf32, #tpu.memory_space<hbm>>, %arg3: memref<32x320x128xi32, #tpu.memory_space<hbm>>, %arg4: memref<10240x128xf32, #tpu.memory_space<hbm>>, %arg5: memref<320x128xi32, #tpu.memory_space<vmem>>, %arg6: memref<320x128xf32, #tpu.memory_space<vmem>>, %arg7: memref<!tpu.dma_semaphore, #tpu.memory_space<semaphore_mem>>, %arg8: memref<!tpu.dma_semaphore, #tpu.memory_space<semaphore_mem>>) attributes {dimension_semantics = [#tpu.dimension_semantics<core_parallel>, #tpu.dimension_semantics<subcore_parallel>], iteration_bounds = array<i64: 2, 16>, scalar_prefetch = 0 : i64, scratch_operands = 4 : i64, tpu.core_type = #tpu.core_type<sc_vector_subcore>, window_params = [{transform_indices = #map}, {transform_indices = #map1}, {transform_indices = #map2}]} {
    %mul3A = arith.constant 16 : i32
    %mul3A_0 = arith.muli %arg0, %mul3A : i32
    %add3A = arith.addi %mul3A_0, %arg1 : i32
    %dma_start3A = arith.constant 0 : i32
    %dma_start3A_1 = arith.constant 0 : i32
    %dma_start3A_2 = tpu.memref_slice %arg3[%add3A, %dma_start3A, %dma_start3A_1] : memref<32x320x128xi32, #tpu.memory_space<hbm>> -> memref<1x320x128xi32, #tpu.memory_space<hbm>>
    %dma_start3A_3 = tpu.memref_squeeze %dma_start3A_2 : memref<1x320x128xi32, #tpu.memory_space<hbm>> -> memref<320x128xi32, #tpu.memory_space<hbm>>
    %dma_start3A_4 = arith.constant 0 : i32
    %dma_start3A_5 = arith.constant 0 : i32
    %dma_start3A_6 = tpu.memref_slice %arg3[%add3A, %dma_start3A_4, %dma_start3A_5] : memref<32x320x128xi32, #tpu.memory_space<hbm>> -> memref<1x320x128xi32, #tpu.memory_space<hbm>>
    %dma_start3A_7 = tpu.memref_squeeze %dma_start3A_6 : memref<1x320x128xi32, #tpu.memory_space<hbm>> -> memref<320x128xi32, #tpu.memory_space<hbm>>
    tpu.enqueue_dma source(%dma_start3A_7 : memref<320x128xi32, #tpu.memory_space<hbm>>) target(%arg5 : memref<320x128xi32, #tpu.memory_space<vmem>>) target_semaphore(%arg7 : memref<!tpu.dma_semaphore, #tpu.memory_space<semaphore_mem>>)
    %dma_wait3A = arith.constant 0 : i32
    %dma_wait3A_8 = arith.constant 0 : i32
    %dma_wait3A_9 = tpu.memref_slice %arg3[%add3A, %dma_wait3A, %dma_wait3A_8] : memref<32x320x128xi32, #tpu.memory_space<hbm>> -> memref<1x320x128xi32, #tpu.memory_space<hbm>>
    %dma_wait3A_10 = tpu.memref_squeeze %dma_wait3A_9 : memref<1x320x128xi32, #tpu.memory_space<hbm>> -> memref<320x128xi32, #tpu.memory_space<hbm>>
    %dma_wait3A_11 = arith.constant 0 : i32
    %dma_wait3A_12 = arith.constant 0 : i32
    %dma_wait3A_13 = tpu.memref_slice %arg3[%add3A, %dma_wait3A_11, %dma_wait3A_12] : memref<32x320x128xi32, #tpu.memory_space<hbm>> -> memref<1x320x128xi32, #tpu.memory_space<hbm>>
    %dma_wait3A_14 = tpu.memref_squeeze %dma_wait3A_13 : memref<1x320x128xi32, #tpu.memory_space<hbm>> -> memref<320x128xi32, #tpu.memory_space<hbm>>
    tpu.wait_dma2 semaphore(%arg7 : memref<!tpu.dma_semaphore, #tpu.memory_space<semaphore_mem>>) src(%dma_wait3A_14 : memref<320x128xi32, #tpu.memory_space<hbm>>) dst(%arg5 : memref<320x128xi32, #tpu.memory_space<vmem>>)
    %scan3A = arith.constant 0 : i32
    %scan3A_15 = arith.constant 320 : i32
    %scan3A_16 = arith.addi %scan3A, %scan3A_15 : i32
    %scan3A_17 = arith.constant 1 : i32
    scf.for %scan3A_25 = %scan3A to %scan3A_16 step %scan3A_17  : i32 {
      %mul3A_26 = arith.constant 1 : i32
      %mul3A_27 = arith.muli %scan3A_25, %mul3A_26 : i32
      %add3A_28 = arith.constant 0 : i32
      %add3A_29 = arith.addi %add3A_28, %mul3A_27 : i32
      %dma_start3A_30 = arith.constant 0 : i32
      %dma_start3A_31 = tpu.memref_slice %arg6[%add3A_29, %dma_start3A_30] : memref<320x128xf32, #tpu.memory_space<vmem>> -> memref<1x128xf32, #tpu.memory_space<vmem>>
      %dma_start3A_32 = tpu.memref_squeeze %dma_start3A_31 : memref<1x128xf32, #tpu.memory_space<vmem>> -> memref<128xf32, #tpu.memory_space<vmem>>
      %dma_start3A_33 = arith.constant 0 : i32
      %dma_start3A_34 = tpu.memref_slice %arg5[%add3A_29, %dma_start3A_33] : memref<320x128xi32, #tpu.memory_space<vmem>> -> memref<1x128xi32, #tpu.memory_space<vmem>>
      %dma_start3A_35 = tpu.memref_squeeze %dma_start3A_34 : memref<1x128xi32, #tpu.memory_space<vmem>> -> memref<128xi32, #tpu.memory_space<vmem>>
      %dma_start3A_36 = arith.constant 0 : i32
      %dma_start3A_37 = tpu.memref_slice %arg2[%dma_start3A_36] : memref<67108864xf32, #tpu.memory_space<hbm>> -> memref<67108864xf32, #tpu.memory_space<hbm>>
      tpu.enqueue_indirect_dma source(%dma_start3A_37 : memref<67108864xf32, #tpu.memory_space<hbm>>) target(%dma_start3A_32 : memref<128xf32, #tpu.memory_space<vmem>>) offsets(%dma_start3A_35 : memref<128xi32, #tpu.memory_space<vmem>>) semaphore(%arg8 : memref<!tpu.dma_semaphore, #tpu.memory_space<semaphore_mem>>)
    }
    %scan3A_18 = arith.constant 320 : i32
    %mul3A_19 = arith.constant 320 : i32
    %mul3A_20 = arith.muli %add3A, %mul3A_19 : i32
    %dma_wait3A_21 = arith.constant 0 : i32
    %dma_wait3A_22 = tpu.memref_slice %arg4[%mul3A_20, %dma_wait3A_21] : memref<10240x128xf32, #tpu.memory_space<hbm>> -> memref<320x128xf32, #tpu.memory_space<hbm>>
    %dma_wait3A_23 = arith.constant 0 : i32
    %dma_wait3A_24 = tpu.memref_slice %arg4[%mul3A_20, %dma_wait3A_23] : memref<10240x128xf32, #tpu.memory_space<hbm>> -> memref<320x128xf32, #tpu.memory_space<hbm>>
    tpu.wait_dma2 semaphore(%arg8 : memref<!tpu.dma_semaphore, #tpu.memory_space<semaphore_mem>>) src(%dma_wait3A_24 : memref<320x128xf32, #tpu.memory_space<hbm>>) dst(%arg6 : memref<320x128xf32, #tpu.memory_space<vmem>>)
    "tpu.region"() ({
      %run_scoped3A = tpu.sem_alloc : memref<!tpu.dma_semaphore, #tpu.memory_space<semaphore_mem>>
      %dma_start3A_25 = arith.constant 0 : i32
      %dma_start3A_26 = tpu.memref_slice %arg4[%mul3A_20, %dma_start3A_25] : memref<10240x128xf32, #tpu.memory_space<hbm>> -> memref<320x128xf32, #tpu.memory_space<hbm>>
      %dma_start3A_27 = arith.constant 0 : i32
      %dma_start3A_28 = tpu.memref_slice %arg4[%mul3A_20, %dma_start3A_27] : memref<10240x128xf32, #tpu.memory_space<hbm>> -> memref<320x128xf32, #tpu.memory_space<hbm>>
      tpu.enqueue_dma source(%arg6 : memref<320x128xf32, #tpu.memory_space<vmem>>) target(%dma_start3A_28 : memref<320x128xf32, #tpu.memory_space<hbm>>) target_semaphore(%run_scoped3A : memref<!tpu.dma_semaphore, #tpu.memory_space<semaphore_mem>>)
      %dma_wait3A_29 = arith.constant 0 : i32
      %dma_wait3A_30 = tpu.memref_slice %arg4[%mul3A_20, %dma_wait3A_29] : memref<10240x128xf32, #tpu.memory_space<hbm>> -> memref<320x128xf32, #tpu.memory_space<hbm>>
      %dma_wait3A_31 = arith.constant 0 : i32
      %dma_wait3A_32 = tpu.memref_slice %arg4[%mul3A_20, %dma_wait3A_31] : memref<10240x128xf32, #tpu.memory_space<hbm>> -> memref<320x128xf32, #tpu.memory_space<hbm>>
      tpu.wait_dma2 semaphore(%run_scoped3A : memref<!tpu.dma_semaphore, #tpu.memory_space<semaphore_mem>>) src(%arg6 : memref<320x128xf32, #tpu.memory_space<vmem>>) dst(%dma_wait3A_32 : memref<320x128xf32, #tpu.memory_space<hbm>>)
      tpu.yield
    }) : () -> ()
    return
  }
}

module attributes {stable_mosaic.version = 14 : i64} {
  func.func @_s_body(%arg0: i32, %arg1: i32, %arg2: memref<1x2048x128xf32, #tpu.memory_space<vmem>>, %arg3: memref<1x128x128xf32, #tpu.memory_space<vmem>>, %arg4: memref<1x1x2048x128xf32, #tpu.memory_space<vmem>>) attributes {dimension_semantics = [#tpu.dimension_semantics<arbitrary>, #tpu.dimension_semantics<arbitrary>], iteration_bounds = array<i64: 16, 16>, scalar_prefetch = 0 : i64, scratch_operands = 0 : i64, tpu.core_type = #tpu.core_type<tc>, window_params = [{transform_indices = @transform_0, window_bounds = array<i64: 1, 2048, 128>}, {transform_indices = @transform_1, window_bounds = array<i64: 1, 128, 128>}, {transform_indices = @transform_2, window_bounds = array<i64: 1, 1, 2048, 128>}]} {
    %get3A = arith.constant 0 : index
    %get3A_0 = arith.constant 0 : index
    %get3A_1 = arith.constant 0 : index
    %get3A_2 = vector.load %arg2[%get3A, %get3A_0, %get3A_1] : memref<1x2048x128xf32, #tpu.memory_space<vmem>>, vector<1x2048x128xf32>
    %get3A_3 = vector.shape_cast %get3A_2 : vector<1x2048x128xf32> to vector<2048x128xf32>
    %get3A_4 = arith.constant 0 : index
    %get3A_5 = arith.constant 0 : index
    %get3A_6 = arith.constant 0 : index
    %get3A_7 = vector.load %arg3[%get3A_4, %get3A_5, %get3A_6] : memref<1x128x128xf32, #tpu.memory_space<vmem>>, vector<1x128x128xf32>
    %get3A_8 = vector.shape_cast %get3A_7 : vector<1x128x128xf32> to vector<128x128xf32>
    %dot_general3A = arith.constant dense<0.000000e+00> : vector<2048x128xf32>
    %dot_general3A_9 = tpu.matmul %get3A_3, %get3A_8, %dot_general3A {dimension_numbers = #tpu.dot_dimension_numbers<[1], [1], [0], [0], [0, 0, 1, 0], [], []>, transpose_lhs_hint = false} : vector<2048x128xf32>, vector<128x128xf32>, vector<2048x128xf32> -> vector<2048x128xf32>
    %swap3A = arith.constant 0 : index
    %swap3A_10 = arith.constant 0 : index
    %swap3A_11 = arith.constant 0 : index
    %swap3A_12 = arith.constant 0 : index
    %swap3A_13 = vector.load %arg4[%swap3A, %swap3A_10, %swap3A_11, %swap3A_12] : memref<1x1x2048x128xf32, #tpu.memory_space<vmem>>, vector<1x1x2048x128xf32>
    %swap3A_14 = vector.shape_cast %swap3A_13 : vector<1x1x2048x128xf32> to vector<2048x128xf32>
    %swap3A_15 = vector.shape_cast %dot_general3A_9 : vector<2048x128xf32> to vector<1x1x2048x128xf32>
    tpu.vector_store %arg4[%swap3A, %swap3A_10, %swap3A_11, %swap3A_12], %swap3A_15 {strides = array<i32>} : memref<1x1x2048x128xf32, #tpu.memory_space<vmem>>, vector<1x1x2048x128xf32>,
    return
  }
  func.func @transform_0(%arg0: i32, %arg1: i32) -> (i32, i32, i32) {
    %c0_i32 = arith.constant 0 : i32
    %c0_i32_0 = arith.constant 0 : i32
    %c0_i32_1 = arith.constant 0 : i32
    return %arg0, %c0_i32, %c0_i32_0 : i32, i32, i32
  }
  func.func @transform_1(%arg0: i32, %arg1: i32) -> (i32, i32, i32) {
    %c0_i32 = arith.constant 0 : i32
    %c0_i32_0 = arith.constant 0 : i32
    return %arg0, %arg1, %c0_i32 : i32, i32, i32
  }
  func.func @transform_2(%arg0: i32, %arg1: i32) -> (i32, i32, i32, i32) {
    %c0_i32 = arith.constant 0 : i32
    %c0_i32_0 = arith.constant 0 : i32
    %c0_i32_1 = arith.constant 0 : i32
    return %arg0, %arg1, %c0_i32, %c0_i32_0 : i32, i32, i32, i32
  }
}

module attributes {stable_mosaic.version = 14 : i64} {
  func.func @_m_body(%arg0: i32, %arg1: memref<1x40x16x128xf32, #tpu.memory_space<vmem>>, %arg2: memref<1x16x128xf32, #tpu.memory_space<vmem>>) attributes {dimension_semantics = [#tpu.dimension_semantics<arbitrary>], iteration_bounds = array<i64: 16>, scalar_prefetch = 0 : i64, scratch_operands = 0 : i64, tpu.core_type = #tpu.core_type<tc>, window_params = [{transform_indices = @transform_0, window_bounds = array<i64: 1, 40, 16, 128>}, {transform_indices = @transform_1, window_bounds = array<i64: 1, 16, 128>}]} {
    %get3A = arith.constant 0 : index
    %get3A_0 = arith.constant 0 : index
    %get3A_1 = arith.constant 0 : index
    %get3A_2 = arith.constant 0 : index
    %get3A_3 = vector.load %arg1[%get3A, %get3A_0, %get3A_1, %get3A_2] : memref<1x40x16x128xf32, #tpu.memory_space<vmem>>, vector<1x40x16x128xf32>
    %get3A_4 = vector.shape_cast %get3A_3 : vector<1x40x16x128xf32> to vector<40x16x128xf32>
    %slice3A = vector.extract_strided_slice %get3A_4 {offsets = [0, 0, 0], sizes = [1, 16, 128], strides = [1, 1, 1]} : vector<40x16x128xf32> to vector<1x16x128xf32>
    %squeeze3A = vector.shape_cast %slice3A : vector<1x16x128xf32> to vector<16x128xf32>
    %slice3A_5 = vector.extract_strided_slice %get3A_4 {offsets = [0, 0, 0], sizes = [1, 16, 128], strides = [1, 1, 1]} : vector<40x16x128xf32> to vector<1x16x128xf32>
    %squeeze3A_6 = vector.shape_cast %slice3A_5 : vector<1x16x128xf32> to vector<16x128xf32>
    %slice3A_7 = vector.extract_strided_slice %get3A_4 {offsets = [1, 0, 0], sizes = [1, 16, 128], strides = [1, 1, 1]} : vector<40x16x128xf32> to vector<1x16x128xf32>
    %squeeze3A_8 = vector.shape_cast %slice3A_7 : vector<1x16x128xf32> to vector<16x128xf32>
    %max3A = arith.maximumf %squeeze3A, %squeeze3A_8 : vector<16x128xf32>
    %add3A = arith.addf %squeeze3A_6, %squeeze3A_8 : vector<16x128xf32>
    %slice3A_9 = vector.extract_strided_slice %get3A_4 {offsets = [2, 0, 0], sizes = [1, 16, 128], strides = [1, 1, 1]} : vector<40x16x128xf32> to vector<1x16x128xf32>
    %squeeze3A_10 = vector.shape_cast %slice3A_9 : vector<1x16x128xf32> to vector<16x128xf32>
    %max3A_11 = arith.maximumf %max3A, %squeeze3A_10 : vector<16x128xf32>
    %add3A_12 = arith.addf %add3A, %squeeze3A_10 : vector<16x128xf32>
    %slice3A_13 = vector.extract_strided_slice %get3A_4 {offsets = [3, 0, 0], sizes = [1, 16, 128], strides = [1, 1, 1]} : vector<40x16x128xf32> to vector<1x16x128xf32>
    %squeeze3A_14 = vector.shape_cast %slice3A_13 : vector<1x16x128xf32> to vector<16x128xf32>
    %max3A_15 = arith.maximumf %max3A_11, %squeeze3A_14 : vector<16x128xf32>
    %add3A_16 = arith.addf %add3A_12, %squeeze3A_14 : vector<16x128xf32>
    %slice3A_17 = vector.extract_strided_slice %get3A_4 {offsets = [4, 0, 0], sizes = [1, 16, 128], strides = [1, 1, 1]} : vector<40x16x128xf32> to vector<1x16x128xf32>
    %squeeze3A_18 = vector.shape_cast %slice3A_17 : vector<1x16x128xf32> to vector<16x128xf32>
    %max3A_19 = arith.maximumf %max3A_15, %squeeze3A_18 : vector<16x128xf32>
    %add3A_20 = arith.addf %add3A_16, %squeeze3A_18 : vector<16x128xf32>
    %slice3A_21 = vector.extract_strided_slice %get3A_4 {offsets = [5, 0, 0], sizes = [1, 16, 128], strides = [1, 1, 1]} : vector<40x16x128xf32> to vector<1x16x128xf32>
    %squeeze3A_22 = vector.shape_cast %slice3A_21 : vector<1x16x128xf32> to vector<16x128xf32>
    %max3A_23 = arith.maximumf %max3A_19, %squeeze3A_22 : vector<16x128xf32>
    %add3A_24 = arith.addf %add3A_20, %squeeze3A_22 : vector<16x128xf32>
    %slice3A_25 = vector.extract_strided_slice %get3A_4 {offsets = [6, 0, 0], sizes = [1, 16, 128], strides = [1, 1, 1]} : vector<40x16x128xf32> to vector<1x16x128xf32>
    %squeeze3A_26 = vector.shape_cast %slice3A_25 : vector<1x16x128xf32> to vector<16x128xf32>
    %max3A_27 = arith.maximumf %max3A_23, %squeeze3A_26 : vector<16x128xf32>
    %add3A_28 = arith.addf %add3A_24, %squeeze3A_26 : vector<16x128xf32>
    %slice3A_29 = vector.extract_strided_slice %get3A_4 {offsets = [7, 0, 0], sizes = [1, 16, 128], strides = [1, 1, 1]} : vector<40x16x128xf32> to vector<1x16x128xf32>
    %squeeze3A_30 = vector.shape_cast %slice3A_29 : vector<1x16x128xf32> to vector<16x128xf32>
    %max3A_31 = arith.maximumf %max3A_27, %squeeze3A_30 : vector<16x128xf32>
    %add3A_32 = arith.addf %add3A_28, %squeeze3A_30 : vector<16x128xf32>
    %slice3A_33 = vector.extract_strided_slice %get3A_4 {offsets = [8, 0, 0], sizes = [1, 16, 128], strides = [1, 1, 1]} : vector<40x16x128xf32> to vector<1x16x128xf32>
    %squeeze3A_34 = vector.shape_cast %slice3A_33 : vector<1x16x128xf32> to vector<16x128xf32>
    %max3A_35 = arith.maximumf %max3A_31, %squeeze3A_34 : vector<16x128xf32>
    %add3A_36 = arith.addf %add3A_32, %squeeze3A_34 : vector<16x128xf32>
    %slice3A_37 = vector.extract_strided_slice %get3A_4 {offsets = [9, 0, 0], sizes = [1, 16, 128], strides = [1, 1, 1]} : vector<40x16x128xf32> to vector<1x16x128xf32>
    %squeeze3A_38 = vector.shape_cast %slice3A_37 : vector<1x16x128xf32> to vector<16x128xf32>
    %max3A_39 = arith.maximumf %max3A_35, %squeeze3A_38 : vector<16x128xf32>
    %add3A_40 = arith.addf %add3A_36, %squeeze3A_38 : vector<16x128xf32>
    %slice3A_41 = vector.extract_strided_slice %get3A_4 {offsets = [10, 0, 0], sizes = [1, 16, 128], strides = [1, 1, 1]} : vector<40x16x128xf32> to vector<1x16x128xf32>
    %squeeze3A_42 = vector.shape_cast %slice3A_41 : vector<1x16x128xf32> to vector<16x128xf32>
    %max3A_43 = arith.maximumf %max3A_39, %squeeze3A_42 : vector<16x128xf32>
    %add3A_44 = arith.addf %add3A_40, %squeeze3A_42 : vector<16x128xf32>
    %slice3A_45 = vector.extract_strided_slice %get3A_4 {offsets = [11, 0, 0], sizes = [1, 16, 128], strides = [1, 1, 1]} : vector<40x16x128xf32> to vector<1x16x128xf32>
    %squeeze3A_46 = vector.shape_cast %slice3A_45 : vector<1x16x128xf32> to vector<16x128xf32>
    %max3A_47 = arith.maximumf %max3A_43, %squeeze3A_46 : vector<16x128xf32>
    %add3A_48 = arith.addf %add3A_44, %squeeze3A_46 : vector<16x128xf32>
    %slice3A_49 = vector.extract_strided_slice %get3A_4 {offsets = [12, 0, 0], sizes = [1, 16, 128], strides = [1, 1, 1]} : vector<40x16x128xf32> to vector<1x16x128xf32>
    %squeeze3A_50 = vector.shape_cast %slice3A_49 : vector<1x16x128xf32> to vector<16x128xf32>
    %max3A_51 = arith.maximumf %max3A_47, %squeeze3A_50 : vector<16x128xf32>
    %add3A_52 = arith.addf %add3A_48, %squeeze3A_50 : vector<16x128xf32>
    %slice3A_53 = vector.extract_strided_slice %get3A_4 {offsets = [13, 0, 0], sizes = [1, 16, 128], strides = [1, 1, 1]} : vector<40x16x128xf32> to vector<1x16x128xf32>
    %squeeze3A_54 = vector.shape_cast %slice3A_53 : vector<1x16x128xf32> to vector<16x128xf32>
    %max3A_55 = arith.maximumf %max3A_51, %squeeze3A_54 : vector<16x128xf32>
    %add3A_56 = arith.addf %add3A_52, %squeeze3A_54 : vector<16x128xf32>
    %slice3A_57 = vector.extract_strided_slice %get3A_4 {offsets = [14, 0, 0], sizes = [1, 16, 128], strides = [1, 1, 1]} : vector<40x16x128xf32> to vector<1x16x128xf32>
    %squeeze3A_58 = vector.shape_cast %slice3A_57 : vector<1x16x128xf32> to vector<16x128xf32>
    %max3A_59 = arith.maximumf %max3A_55, %squeeze3A_58 : vector<16x128xf32>
    %add3A_60 = arith.addf %add3A_56, %squeeze3A_58 : vector<16x128xf32>
    %slice3A_61 = vector.extract_strided_slice %get3A_4 {offsets = [15, 0, 0], sizes = [1, 16, 128], strides = [1, 1, 1]} : vector<40x16x128xf32> to vector<1x16x128xf32>
    %squeeze3A_62 = vector.shape_cast %slice3A_61 : vector<1x16x128xf32> to vector<16x128xf32>
    %max3A_63 = arith.maximumf %max3A_59, %squeeze3A_62 : vector<16x128xf32>
    %add3A_64 = arith.addf %add3A_60, %squeeze3A_62 : vector<16x128xf32>
    %slice3A_65 = vector.extract_strided_slice %get3A_4 {offsets = [16, 0, 0], sizes = [1, 16, 128], strides = [1, 1, 1]} : vector<40x16x128xf32> to vector<1x16x128xf32>
    %squeeze3A_66 = vector.shape_cast %slice3A_65 : vector<1x16x128xf32> to vector<16x128xf32>
    %max3A_67 = arith.maximumf %max3A_63, %squeeze3A_66 : vector<16x128xf32>
    %add3A_68 = arith.addf %add3A_64, %squeeze3A_66 : vector<16x128xf32>
    %slice3A_69 = vector.extract_strided_slice %get3A_4 {offsets = [17, 0, 0], sizes = [1, 16, 128], strides = [1, 1, 1]} : vector<40x16x128xf32> to vector<1x16x128xf32>
    %squeeze3A_70 = vector.shape_cast %slice3A_69 : vector<1x16x128xf32> to vector<16x128xf32>
    %max3A_71 = arith.maximumf %max3A_67, %squeeze3A_70 : vector<16x128xf32>
    %add3A_72 = arith.addf %add3A_68, %squeeze3A_70 : vector<16x128xf32>
    %slice3A_73 = vector.extract_strided_slice %get3A_4 {offsets = [18, 0, 0], sizes = [1, 16, 128], strides = [1, 1, 1]} : vector<40x16x128xf32> to vector<1x16x128xf32>
    %squeeze3A_74 = vector.shape_cast %slice3A_73 : vector<1x16x128xf32> to vector<16x128xf32>
    %max3A_75 = arith.maximumf %max3A_71, %squeeze3A_74 : vector<16x128xf32>
    %add3A_76 = arith.addf %add3A_72, %squeeze3A_74 : vector<16x128xf32>
    %slice3A_77 = vector.extract_strided_slice %get3A_4 {offsets = [19, 0, 0], sizes = [1, 16, 128], strides = [1, 1, 1]} : vector<40x16x128xf32> to vector<1x16x128xf32>
    %squeeze3A_78 = vector.shape_cast %slice3A_77 : vector<1x16x128xf32> to vector<16x128xf32>
    %max3A_79 = arith.maximumf %max3A_75, %squeeze3A_78 : vector<16x128xf32>
    %add3A_80 = arith.addf %add3A_76, %squeeze3A_78 : vector<16x128xf32>
    %slice3A_81 = vector.extract_strided_slice %get3A_4 {offsets = [20, 0, 0], sizes = [1, 16, 128], strides = [1, 1, 1]} : vector<40x16x128xf32> to vector<1x16x128xf32>
    %squeeze3A_82 = vector.shape_cast %slice3A_81 : vector<1x16x128xf32> to vector<16x128xf32>
    %max3A_83 = arith.maximumf %max3A_79, %squeeze3A_82 : vector<16x128xf32>
    %add3A_84 = arith.addf %add3A_80, %squeeze3A_82 : vector<16x128xf32>
    %slice3A_85 = vector.extract_strided_slice %get3A_4 {offsets = [21, 0, 0], sizes = [1, 16, 128], strides = [1, 1, 1]} : vector<40x16x128xf32> to vector<1x16x128xf32>
    %squeeze3A_86 = vector.shape_cast %slice3A_85 : vector<1x16x128xf32> to vector<16x128xf32>
    %max3A_87 = arith.maximumf %max3A_83, %squeeze3A_86 : vector<16x128xf32>
    %add3A_88 = arith.addf %add3A_84, %squeeze3A_86 : vector<16x128xf32>
    %slice3A_89 = vector.extract_strided_slice %get3A_4 {offsets = [22, 0, 0], sizes = [1, 16, 128], strides = [1, 1, 1]} : vector<40x16x128xf32> to vector<1x16x128xf32>
    %squeeze3A_90 = vector.shape_cast %slice3A_89 : vector<1x16x128xf32> to vector<16x128xf32>
    %max3A_91 = arith.maximumf %max3A_87, %squeeze3A_90 : vector<16x128xf32>
    %add3A_92 = arith.addf %add3A_88, %squeeze3A_90 : vector<16x128xf32>
    %slice3A_93 = vector.extract_strided_slice %get3A_4 {offsets = [23, 0, 0], sizes = [1, 16, 128], strides = [1, 1, 1]} : vector<40x16x128xf32> to vector<1x16x128xf32>
    %squeeze3A_94 = vector.shape_cast %slice3A_93 : vector<1x16x128xf32> to vector<16x128xf32>
    %max3A_95 = arith.maximumf %max3A_91, %squeeze3A_94 : vector<16x128xf32>
    %add3A_96 = arith.addf %add3A_92, %squeeze3A_94 : vector<16x128xf32>
    %slice3A_97 = vector.extract_strided_slice %get3A_4 {offsets = [24, 0, 0], sizes = [1, 16, 128], strides = [1, 1, 1]} : vector<40x16x128xf32> to vector<1x16x128xf32>
    %squeeze3A_98 = vector.shape_cast %slice3A_97 : vector<1x16x128xf32> to vector<16x128xf32>
    %max3A_99 = arith.maximumf %max3A_95, %squeeze3A_98 : vector<16x128xf32>
    %add3A_100 = arith.addf %add3A_96, %squeeze3A_98 : vector<16x128xf32>
    %slice3A_101 = vector.extract_strided_slice %get3A_4 {offsets = [25, 0, 0], sizes = [1, 16, 128], strides = [1, 1, 1]} : vector<40x16x128xf32> to vector<1x16x128xf32>
    %squeeze3A_102 = vector.shape_cast %slice3A_101 : vector<1x16x128xf32> to vector<16x128xf32>
    %max3A_103 = arith.maximumf %max3A_99, %squeeze3A_102 : vector<16x128xf32>
    %add3A_104 = arith.addf %add3A_100, %squeeze3A_102 : vector<16x128xf32>
    %slice3A_105 = vector.extract_strided_slice %get3A_4 {offsets = [26, 0, 0], sizes = [1, 16, 128], strides = [1, 1, 1]} : vector<40x16x128xf32> to vector<1x16x128xf32>
    %squeeze3A_106 = vector.shape_cast %slice3A_105 : vector<1x16x128xf32> to vector<16x128xf32>
    %max3A_107 = arith.maximumf %max3A_103, %squeeze3A_106 : vector<16x128xf32>
    %add3A_108 = arith.addf %add3A_104, %squeeze3A_106 : vector<16x128xf32>
    %slice3A_109 = vector.extract_strided_slice %get3A_4 {offsets = [27, 0, 0], sizes = [1, 16, 128], strides = [1, 1, 1]} : vector<40x16x128xf32> to vector<1x16x128xf32>
    %squeeze3A_110 = vector.shape_cast %slice3A_109 : vector<1x16x128xf32> to vector<16x128xf32>
    %max3A_111 = arith.maximumf %max3A_107, %squeeze3A_110 : vector<16x128xf32>
    %add3A_112 = arith.addf %add3A_108, %squeeze3A_110 : vector<16x128xf32>
    %slice3A_113 = vector.extract_strided_slice %get3A_4 {offsets = [28, 0, 0], sizes = [1, 16, 128], strides = [1, 1, 1]} : vector<40x16x128xf32> to vector<1x16x128xf32>
    %squeeze3A_114 = vector.shape_cast %slice3A_113 : vector<1x16x128xf32> to vector<16x128xf32>
    %max3A_115 = arith.maximumf %max3A_111, %squeeze3A_114 : vector<16x128xf32>
    %add3A_116 = arith.addf %add3A_112, %squeeze3A_114 : vector<16x128xf32>
    %slice3A_117 = vector.extract_strided_slice %get3A_4 {offsets = [29, 0, 0], sizes = [1, 16, 128], strides = [1, 1, 1]} : vector<40x16x128xf32> to vector<1x16x128xf32>
    %squeeze3A_118 = vector.shape_cast %slice3A_117 : vector<1x16x128xf32> to vector<16x128xf32>
    %max3A_119 = arith.maximumf %max3A_115, %squeeze3A_118 : vector<16x128xf32>
    %add3A_120 = arith.addf %add3A_116, %squeeze3A_118 : vector<16x128xf32>
    %slice3A_121 = vector.extract_strided_slice %get3A_4 {offsets = [30, 0, 0], sizes = [1, 16, 128], strides = [1, 1, 1]} : vector<40x16x128xf32> to vector<1x16x128xf32>
    %squeeze3A_122 = vector.shape_cast %slice3A_121 : vector<1x16x128xf32> to vector<16x128xf32>
    %max3A_123 = arith.maximumf %max3A_119, %squeeze3A_122 : vector<16x128xf32>
    %add3A_124 = arith.addf %add3A_120, %squeeze3A_122 : vector<16x128xf32>
    %slice3A_125 = vector.extract_strided_slice %get3A_4 {offsets = [31, 0, 0], sizes = [1, 16, 128], strides = [1, 1, 1]} : vector<40x16x128xf32> to vector<1x16x128xf32>
    %squeeze3A_126 = vector.shape_cast %slice3A_125 : vector<1x16x128xf32> to vector<16x128xf32>
    %max3A_127 = arith.maximumf %max3A_123, %squeeze3A_126 : vector<16x128xf32>
    %add3A_128 = arith.addf %add3A_124, %squeeze3A_126 : vector<16x128xf32>
    %slice3A_129 = vector.extract_strided_slice %get3A_4 {offsets = [32, 0, 0], sizes = [1, 16, 128], strides = [1, 1, 1]} : vector<40x16x128xf32> to vector<1x16x128xf32>
    %squeeze3A_130 = vector.shape_cast %slice3A_129 : vector<1x16x128xf32> to vector<16x128xf32>
    %max3A_131 = arith.maximumf %max3A_127, %squeeze3A_130 : vector<16x128xf32>
    %add3A_132 = arith.addf %add3A_128, %squeeze3A_130 : vector<16x128xf32>
    %slice3A_133 = vector.extract_strided_slice %get3A_4 {offsets = [33, 0, 0], sizes = [1, 16, 128], strides = [1, 1, 1]} : vector<40x16x128xf32> to vector<1x16x128xf32>
    %squeeze3A_134 = vector.shape_cast %slice3A_133 : vector<1x16x128xf32> to vector<16x128xf32>
    %max3A_135 = arith.maximumf %max3A_131, %squeeze3A_134 : vector<16x128xf32>
    %add3A_136 = arith.addf %add3A_132, %squeeze3A_134 : vector<16x128xf32>
    %slice3A_137 = vector.extract_strided_slice %get3A_4 {offsets = [34, 0, 0], sizes = [1, 16, 128], strides = [1, 1, 1]} : vector<40x16x128xf32> to vector<1x16x128xf32>
    %squeeze3A_138 = vector.shape_cast %slice3A_137 : vector<1x16x128xf32> to vector<16x128xf32>
    %max3A_139 = arith.maximumf %max3A_135, %squeeze3A_138 : vector<16x128xf32>
    %add3A_140 = arith.addf %add3A_136, %squeeze3A_138 : vector<16x128xf32>
    %slice3A_141 = vector.extract_strided_slice %get3A_4 {offsets = [35, 0, 0], sizes = [1, 16, 128], strides = [1, 1, 1]} : vector<40x16x128xf32> to vector<1x16x128xf32>
    %squeeze3A_142 = vector.shape_cast %slice3A_141 : vector<1x16x128xf32> to vector<16x128xf32>
    %max3A_143 = arith.maximumf %max3A_139, %squeeze3A_142 : vector<16x128xf32>
    %add3A_144 = arith.addf %add3A_140, %squeeze3A_142 : vector<16x128xf32>
    %slice3A_145 = vector.extract_strided_slice %get3A_4 {offsets = [36, 0, 0], sizes = [1, 16, 128], strides = [1, 1, 1]} : vector<40x16x128xf32> to vector<1x16x128xf32>
    %squeeze3A_146 = vector.shape_cast %slice3A_145 : vector<1x16x128xf32> to vector<16x128xf32>
    %max3A_147 = arith.maximumf %max3A_143, %squeeze3A_146 : vector<16x128xf32>
    %add3A_148 = arith.addf %add3A_144, %squeeze3A_146 : vector<16x128xf32>
    %slice3A_149 = vector.extract_strided_slice %get3A_4 {offsets = [37, 0, 0], sizes = [1, 16, 128], strides = [1, 1, 1]} : vector<40x16x128xf32> to vector<1x16x128xf32>
    %squeeze3A_150 = vector.shape_cast %slice3A_149 : vector<1x16x128xf32> to vector<16x128xf32>
    %max3A_151 = arith.maximumf %max3A_147, %squeeze3A_150 : vector<16x128xf32>
    %add3A_152 = arith.addf %add3A_148, %squeeze3A_150 : vector<16x128xf32>
    %slice3A_153 = vector.extract_strided_slice %get3A_4 {offsets = [38, 0, 0], sizes = [1, 16, 128], strides = [1, 1, 1]} : vector<40x16x128xf32> to vector<1x16x128xf32>
    %squeeze3A_154 = vector.shape_cast %slice3A_153 : vector<1x16x128xf32> to vector<16x128xf32>
    %max3A_155 = arith.maximumf %max3A_151, %squeeze3A_154 : vector<16x128xf32>
    %add3A_156 = arith.addf %add3A_152, %squeeze3A_154 : vector<16x128xf32>
    %slice3A_157 = vector.extract_strided_slice %get3A_4 {offsets = [39, 0, 0], sizes = [1, 16, 128], strides = [1, 1, 1]} : vector<40x16x128xf32> to vector<1x16x128xf32>
    %squeeze3A_158 = vector.shape_cast %slice3A_157 : vector<1x16x128xf32> to vector<16x128xf32>
    %max3A_159 = arith.maximumf %max3A_155, %squeeze3A_158 : vector<16x128xf32>
    %add3A_160 = arith.addf %add3A_156, %squeeze3A_158 : vector<16x128xf32>
    %mul3A = arith.constant 4.8828125E-4 : f32
    %mul3A_161 = vector.broadcast %mul3A : f32 to vector<16x128xf32>
    %mul3A_162 = arith.mulf %add3A_160, %mul3A_161 : vector<16x128xf32>
    %sub3A = arith.subf %max3A_159, %mul3A_162 : vector<16x128xf32>
    %swap3A = arith.constant 0 : index
    %swap3A_163 = arith.constant 0 : index
    %swap3A_164 = arith.constant 0 : index
    %swap3A_165 = vector.load %arg2[%swap3A, %swap3A_163, %swap3A_164] : memref<1x16x128xf32, #tpu.memory_space<vmem>>, vector<1x16x128xf32>
    %swap3A_166 = vector.shape_cast %swap3A_165 : vector<1x16x128xf32> to vector<16x128xf32>
    %swap3A_167 = vector.shape_cast %sub3A : vector<16x128xf32> to vector<1x16x128xf32>
    tpu.vector_store %arg2[%swap3A, %swap3A_163, %swap3A_164], %swap3A_167 {strides = array<i32>} : memref<1x16x128xf32, #tpu.memory_space<vmem>>, vector<1x16x128xf32>,
    return
  }
  func.func @transform_0(%arg0: i32) -> (i32, i32, i32, i32) {
    %c0_i32 = arith.constant 0 : i32
    %c0_i32_0 = arith.constant 0 : i32
    %c0_i32_1 = arith.constant 0 : i32
    %c0_i32_2 = arith.constant 0 : i32
    return %arg0, %c0_i32, %c0_i32_0, %c0_i32_1 : i32, i32, i32, i32
  }
  func.func @transform_1(%arg0: i32) -> (i32, i32, i32) {
    %c0_i32 = arith.constant 0 : i32
    %c0_i32_0 = arith.constant 0 : i32
    %c0_i32_1 = arith.constant 0 : i32
    return %arg0, %c0_i32, %c0_i32_0 : i32, i32, i32
  }
}

module attributes {stable_mosaic.version = 14 : i64} {
  func.func @_topk_body(%arg0: i32, %arg1: memref<16x16x128xf32, #tpu.memory_space<vmem>>, %arg2: memref<16x1x40xi32, #tpu.memory_space<vmem>>) attributes {dimension_semantics = [#tpu.dimension_semantics<arbitrary>], iteration_bounds = array<i64: 1>, scalar_prefetch = 0 : i64, scratch_operands = 0 : i64, tpu.core_type = #tpu.core_type<tc>, window_params = [{pipeline_mode = #tpu.pipeline_mode<synchronous>, transform_indices = @transform_0, window_bounds = array<i64: 16, 16, 128>}, {pipeline_mode = #tpu.pipeline_mode<synchronous>, transform_indices = @transform_1, window_bounds = array<i64: 16, 1, 40>}]} {
    %get3A = arith.constant 0 : index
    %get3A_0 = arith.constant 0 : index
    %get3A_1 = arith.constant 0 : index
    %get3A_2 = vector.load %arg1[%get3A, %get3A_0, %get3A_1] : memref<16x16x128xf32, #tpu.memory_space<vmem>>, vector<16x16x128xf32>
    %iota3A = tpu.iota {dimensions = array<i32: 1>} : vector<16x16x128xi32>
    %mul3A = arith.constant 128 : i32
    %mul3A_3 = vector.broadcast %mul3A : i32 to vector<16x16x128xi32>
    %mul3A_4 = arith.muli %iota3A, %mul3A_3 : vector<16x16x128xi32>
    %iota3A_5 = tpu.iota {dimensions = array<i32: 2>} : vector<16x16x128xi32>
    %add3A = arith.addi %mul3A_4, %iota3A_5 : vector<16x16x128xi32>
    %reduce_max3A = arith.constant dense<0xFF800000> : vector<16x16xf32>
    %reduce_max3A_6 = vector.multi_reduction <maximumf>, %get3A_2, %reduce_max3A [2] : vector<16x16x128xf32> to vector<16x16xf32>
    %broadcast_in_dim3A = vector.shape_cast %reduce_max3A_6 : vector<16x16xf32> to vector<16x16x1xf32>
    %reduce_max3A_7 = arith.constant dense<0xFF800000> : vector<16x1xf32>
    %reduce_max3A_8 = vector.multi_reduction <maximumf>, %broadcast_in_dim3A, %reduce_max3A_7 [1] : vector<16x16x1xf32> to vector<16x1xf32>
    %broadcast_in_dim3A_9 = vector.shape_cast %reduce_max3A_8 : vector<16x1xf32> to vector<16x1x1xf32>
    %ge3A = vector.broadcast %broadcast_in_dim3A_9 : vector<16x1x1xf32> to vector<16x16x128xf32>
    %ge3A_10 = arith.cmpf oge, %get3A_2, %ge3A : vector<16x16x128xf32>
    %jit3A = arith.constant 1073741824 : i32
    %broadcast_in_dim3A_11 = vector.broadcast %jit3A : i32 to vector<16x16x128xi32>
    %select_n3A = arith.select %ge3A_10, %add3A, %broadcast_in_dim3A_11 : vector<16x16x128xi1>, vector<16x16x128xi32>
    %reduce_min3A = arith.constant dense<2147483647> : vector<16x16xi32>
    %reduce_min3A_12 = vector.multi_reduction <minsi>, %select_n3A, %reduce_min3A [2] : vector<16x16x128xi32> to vector<16x16xi32>
    %broadcast_in_dim3A_13 = vector.shape_cast %reduce_min3A_12 : vector<16x16xi32> to vector<16x16x1xi32>
    %reduce_min3A_14 = arith.constant dense<2147483647> : vector<16x1xi32>
    %reduce_min3A_15 = vector.multi_reduction <minsi>, %broadcast_in_dim3A_13, %reduce_min3A_14 [1] : vector<16x16x1xi32> to vector<16x1xi32>
    %broadcast_in_dim3A_16 = vector.shape_cast %reduce_min3A_15 : vector<16x1xi32> to vector<16x1x1xi32>
    %swap3A = arith.constant 0 : index
    %swap3A_17 = arith.constant 0 : index
    %swap3A_18 = arith.constant 0 : index
    %swap3A_19 = vector.load %arg2[%swap3A, %swap3A_17, %swap3A_18] : memref<16x1x40xi32, #tpu.memory_space<vmem>>, vector<16x1x1xi32>
    tpu.vector_store %arg2[%swap3A, %swap3A_17, %swap3A_18], %broadcast_in_dim3A_16 {strides = array<i32>} : memref<16x1x40xi32, #tpu.memory_space<vmem>>, vector<16x1x1xi32>,
    %eq3A = vector.broadcast %broadcast_in_dim3A_16 : vector<16x1x1xi32> to vector<16x16x128xi32>
    %eq3A_20 = arith.cmpi eq, %add3A, %eq3A : vector<16x16x128xi32>
    %jit3A_21 = arith.constant -3.000000e+38 : f32
    %broadcast_in_dim3A_22 = vector.broadcast %jit3A_21 : f32 to vector<16x16x128xf32>
    %select_n3A_23 = arith.select %eq3A_20, %broadcast_in_dim3A_22, %get3A_2 : vector<16x16x128xi1>, vector<16x16x128xf32>
    %reduce_max3A_24 = arith.constant dense<0xFF800000> : vector<16x16xf32>
    %reduce_max3A_25 = vector.multi_reduction <maximumf>, %select_n3A_23, %reduce_max3A_24 [2] : vector<16x16x128xf32> to vector<16x16xf32>
    %broadcast_in_dim3A_26 = vector.shape_cast %reduce_max3A_25 : vector<16x16xf32> to vector<16x16x1xf32>
    %reduce_max3A_27 = arith.constant dense<0xFF800000> : vector<16x1xf32>
    %reduce_max3A_28 = vector.multi_reduction <maximumf>, %broadcast_in_dim3A_26, %reduce_max3A_27 [1] : vector<16x16x1xf32> to vector<16x1xf32>
    %broadcast_in_dim3A_29 = vector.shape_cast %reduce_max3A_28 : vector<16x1xf32> to vector<16x1x1xf32>
    %ge3A_30 = vector.broadcast %broadcast_in_dim3A_29 : vector<16x1x1xf32> to vector<16x16x128xf32>
    %ge3A_31 = arith.cmpf oge, %select_n3A_23, %ge3A_30 : vector<16x16x128xf32>
    %jit3A_32 = arith.constant 1073741824 : i32
    %broadcast_in_dim3A_33 = vector.broadcast %jit3A_32 : i32 to vector<16x16x128xi32>
    %select_n3A_34 = arith.select %ge3A_31, %add3A, %broadcast_in_dim3A_33 : vector<16x16x128xi1>, vector<16x16x128xi32>
    %reduce_min3A_35 = arith.constant dense<2147483647> : vector<16x16xi32>
    %reduce_min3A_36 = vector.multi_reduction <minsi>, %select_n3A_34, %reduce_min3A_35 [2] : vector<16x16x128xi32> to vector<16x16xi32>
    %broadcast_in_dim3A_37 = vector.shape_cast %reduce_min3A_36 : vector<16x16xi32> to vector<16x16x1xi32>
    %reduce_min3A_38 = arith.constant dense<2147483647> : vector<16x1xi32>
    %reduce_min3A_39 = vector.multi_reduction <minsi>, %broadcast_in_dim3A_37, %reduce_min3A_38 [1] : vector<16x16x1xi32> to vector<16x1xi32>
    %broadcast_in_dim3A_40 = vector.shape_cast %reduce_min3A_39 : vector<16x1xi32> to vector<16x1x1xi32>
    %swap3A_41 = arith.constant 0 : index
    %swap3A_42 = arith.constant 0 : index
    %swap3A_43 = arith.constant 1 : index
    %swap3A_44 = vector.load %arg2[%swap3A_41, %swap3A_42, %swap3A_43] : memref<16x1x40xi32, #tpu.memory_space<vmem>>, vector<16x1x1xi32>
    tpu.vector_store %arg2[%swap3A_41, %swap3A_42, %swap3A_43], %broadcast_in_dim3A_40 {strides = array<i32>} : memref<16x1x40xi32, #tpu.memory_space<vmem>>, vector<16x1x1xi32>,
    %eq3A_45 = vector.broadcast %broadcast_in_dim3A_40 : vector<16x1x1xi32> to vector<16x16x128xi32>
    %eq3A_46 = arith.cmpi eq, %add3A, %eq3A_45 : vector<16x16x128xi32>
    %jit3A_47 = arith.constant -3.000000e+38 : f32
    %broadcast_in_dim3A_48 = vector.broadcast %jit3A_47 : f32 to vector<16x16x128xf32>
    %select_n3A_49 = arith.select %eq3A_46, %broadcast_in_dim3A_48, %select_n3A_23 : vector<16x16x128xi1>, vector<16x16x128xf32>
    %reduce_max3A_50 = arith.constant dense<0xFF800000> : vector<16x16xf32>
    %reduce_max3A_51 = vector.multi_reduction <maximumf>, %select_n3A_49, %reduce_max3A_50 [2] : vector<16x16x128xf32> to vector<16x16xf32>
    %broadcast_in_dim3A_52 = vector.shape_cast %reduce_max3A_51 : vector<16x16xf32> to vector<16x16x1xf32>
    %reduce_max3A_53 = arith.constant dense<0xFF800000> : vector<16x1xf32>
    %reduce_max3A_54 = vector.multi_reduction <maximumf>, %broadcast_in_dim3A_52, %reduce_max3A_53 [1] : vector<16x16x1xf32> to vector<16x1xf32>
    %broadcast_in_dim3A_55 = vector.shape_cast %reduce_max3A_54 : vector<16x1xf32> to vector<16x1x1xf32>
    %ge3A_56 = vector.broadcast %broadcast_in_dim3A_55 : vector<16x1x1xf32> to vector<16x16x128xf32>
    %ge3A_57 = arith.cmpf oge, %select_n3A_49, %ge3A_56 : vector<16x16x128xf32>
    %jit3A_58 = arith.constant 1073741824 : i32
    %broadcast_in_dim3A_59 = vector.broadcast %jit3A_58 : i32 to vector<16x16x128xi32>
    %select_n3A_60 = arith.select %ge3A_57, %add3A, %broadcast_in_dim3A_59 : vector<16x16x128xi1>, vector<16x16x128xi32>
    %reduce_min3A_61 = arith.constant dense<2147483647> : vector<16x16xi32>
    %reduce_min3A_62 = vector.multi_reduction <minsi>, %select_n3A_60, %reduce_min3A_61 [2] : vector<16x16x128xi32> to vector<16x16xi32>
    %broadcast_in_dim3A_63 = vector.shape_cast %reduce_min3A_62 : vector<16x16xi32> to vector<16x16x1xi32>
    %reduce_min3A_64 = arith.constant dense<2147483647> : vector<16x1xi32>
    %reduce_min3A_65 = vector.multi_reduction <minsi>, %broadcast_in_dim3A_63, %reduce_min3A_64 [1] : vector<16x16x1xi32> to vector<16x1xi32>
    %broadcast_in_dim3A_66 = vector.shape_cast %reduce_min3A_65 : vector<16x1xi32> to vector<16x1x1xi32>
    %swap3A_67 = arith.constant 0 : index
    %swap3A_68 = arith.constant 0 : index
    %swap3A_69 = arith.constant 2 : index
    %swap3A_70 = vector.load %arg2[%swap3A_67, %swap3A_68, %swap3A_69] : memref<16x1x40xi32, #tpu.memory_space<vmem>>, vector<16x1x1xi32>
    tpu.vector_store %arg2[%swap3A_67, %swap3A_68, %swap3A_69], %broadcast_in_dim3A_66 {strides = array<i32>} : memref<16x1x40xi32, #tpu.memory_space<vmem>>, vector<16x1x1xi32>,
    %eq3A_71 = vector.broadcast %broadcast_in_dim3A_66 : vector<16x1x1xi32> to vector<16x16x128xi32>
    %eq3A_72 = arith.cmpi eq, %add3A, %eq3A_71 : vector<16x16x128xi32>
    %jit3A_73 = arith.constant -3.000000e+38 : f32
    %broadcast_in_dim3A_74 = vector.broadcast %jit3A_73 : f32 to vector<16x16x128xf32>
    %select_n3A_75 = arith.select %eq3A_72, %broadcast_in_dim3A_74, %select_n3A_49 : vector<16x16x128xi1>, vector<16x16x128xf32>
    %reduce_max3A_76 = arith.constant dense<0xFF800000> : vector<16x16xf32>
    %reduce_max3A_77 = vector.multi_reduction <maximumf>, %select_n3A_75, %reduce_max3A_76 [2] : vector<16x16x128xf32> to vector<16x16xf32>
    %broadcast_in_dim3A_78 = vector.shape_cast %reduce_max3A_77 : vector<16x16xf32> to vector<16x16x1xf32>
    %reduce_max3A_79 = arith.constant dense<0xFF800000> : vector<16x1xf32>
    %reduce_max3A_80 = vector.multi_reduction <maximumf>, %broadcast_in_dim3A_78, %reduce_max3A_79 [1] : vector<16x16x1xf32> to vector<16x1xf32>
    %broadcast_in_dim3A_81 = vector.shape_cast %reduce_max3A_80 : vector<16x1xf32> to vector<16x1x1xf32>
    %ge3A_82 = vector.broadcast %broadcast_in_dim3A_81 : vector<16x1x1xf32> to vector<16x16x128xf32>
    %ge3A_83 = arith.cmpf oge, %select_n3A_75, %ge3A_82 : vector<16x16x128xf32>
    %jit3A_84 = arith.constant 1073741824 : i32
    %broadcast_in_dim3A_85 = vector.broadcast %jit3A_84 : i32 to vector<16x16x128xi32>
    %select_n3A_86 = arith.select %ge3A_83, %add3A, %broadcast_in_dim3A_85 : vector<16x16x128xi1>, vector<16x16x128xi32>
    %reduce_min3A_87 = arith.constant dense<2147483647> : vector<16x16xi32>
    %reduce_min3A_88 = vector.multi_reduction <minsi>, %select_n3A_86, %reduce_min3A_87 [2] : vector<16x16x128xi32> to vector<16x16xi32>
    %broadcast_in_dim3A_89 = vector.shape_cast %reduce_min3A_88 : vector<16x16xi32> to vector<16x16x1xi32>
    %reduce_min3A_90 = arith.constant dense<2147483647> : vector<16x1xi32>
    %reduce_min3A_91 = vector.multi_reduction <minsi>, %broadcast_in_dim3A_89, %reduce_min3A_90 [1] : vector<16x16x1xi32> to vector<16x1xi32>
    %broadcast_in_dim3A_92 = vector.shape_cast %reduce_min3A_91 : vector<16x1xi32> to vector<16x1x1xi32>
    %swap3A_93 = arith.constant 0 : index
    %swap3A_94 = arith.constant 0 : index
    %swap3A_95 = arith.constant 3 : index
    %swap3A_96 = vector.load %arg2[%swap3A_93, %swap3A_94, %swap3A_95] : memref<16x1x40xi32, #tpu.memory_space<vmem>>, vector<16x1x1xi32>
    tpu.vector_store %arg2[%swap3A_93, %swap3A_94, %swap3A_95], %broadcast_in_dim3A_92 {strides = array<i32>} : memref<16x1x40xi32, #tpu.memory_space<vmem>>, vector<16x1x1xi32>,
    %eq3A_97 = vector.broadcast %broadcast_in_dim3A_92 : vector<16x1x1xi32> to vector<16x16x128xi32>
    %eq3A_98 = arith.cmpi eq, %add3A, %eq3A_97 : vector<16x16x128xi32>
    %jit3A_99 = arith.constant -3.000000e+38 : f32
    %broadcast_in_dim3A_100 = vector.broadcast %jit3A_99 : f32 to vector<16x16x128xf32>
    %select_n3A_101 = arith.select %eq3A_98, %broadcast_in_dim3A_100, %select_n3A_75 : vector<16x16x128xi1>, vector<16x16x128xf32>
    %reduce_max3A_102 = arith.constant dense<0xFF800000> : vector<16x16xf32>
    %reduce_max3A_103 = vector.multi_reduction <maximumf>, %select_n3A_101, %reduce_max3A_102 [2] : vector<16x16x128xf32> to vector<16x16xf32>
    %broadcast_in_dim3A_104 = vector.shape_cast %reduce_max3A_103 : vector<16x16xf32> to vector<16x16x1xf32>
    %reduce_max3A_105 = arith.constant dense<0xFF800000> : vector<16x1xf32>
    %reduce_max3A_106 = vector.multi_reduction <maximumf>, %broadcast_in_dim3A_104, %reduce_max3A_105 [1] : vector<16x16x1xf32> to vector<16x1xf32>
    %broadcast_in_dim3A_107 = vector.shape_cast %reduce_max3A_106 : vector<16x1xf32> to vector<16x1x1xf32>
    %ge3A_108 = vector.broadcast %broadcast_in_dim3A_107 : vector<16x1x1xf32> to vector<16x16x128xf32>
    %ge3A_109 = arith.cmpf oge, %select_n3A_101, %ge3A_108 : vector<16x16x128xf32>
    %jit3A_110 = arith.constant 1073741824 : i32
    %broadcast_in_dim3A_111 = vector.broadcast %jit3A_110 : i32 to vector<16x16x128xi32>
    %select_n3A_112 = arith.select %ge3A_109, %add3A, %broadcast_in_dim3A_111 : vector<16x16x128xi1>, vector<16x16x128xi32>
    %reduce_min3A_113 = arith.constant dense<2147483647> : vector<16x16xi32>
    %reduce_min3A_114 = vector.multi_reduction <minsi>, %select_n3A_112, %reduce_min3A_113 [2] : vector<16x16x128xi32> to vector<16x16xi32>
    %broadcast_in_dim3A_115 = vector.shape_cast %reduce_min3A_114 : vector<16x16xi32> to vector<16x16x1xi32>
    %reduce_min3A_116 = arith.constant dense<2147483647> : vector<16x1xi32>
    %reduce_min3A_117 = vector.multi_reduction <minsi>, %broadcast_in_dim3A_115, %reduce_min3A_116 [1] : vector<16x16x1xi32> to vector<16x1xi32>
    %broadcast_in_dim3A_118 = vector.shape_cast %reduce_min3A_117 : vector<16x1xi32> to vector<16x1x1xi32>
    %swap3A_119 = arith.constant 0 : index
    %swap3A_120 = arith.constant 0 : index
    %swap3A_121 = arith.constant 4 : index
    %swap3A_122 = vector.load %arg2[%swap3A_119, %swap3A_120, %swap3A_121] : memref<16x1x40xi32, #tpu.memory_space<vmem>>, vector<16x1x1xi32>
    tpu.vector_store %arg2[%swap3A_119, %swap3A_120, %swap3A_121], %broadcast_in_dim3A_118 {strides = array<i32>} : memref<16x1x40xi32, #tpu.memory_space<vmem>>, vector<16x1x1xi32>,
    %eq3A_123 = vector.broadcast %broadcast_in_dim3A_118 : vector<16x1x1xi32> to vector<16x16x128xi32>
    %eq3A_124 = arith.cmpi eq, %add3A, %eq3A_123 : vector<16x16x128xi32>
    %jit3A_125 = arith.constant -3.000000e+38 : f32
    %broadcast_in_dim3A_126 = vector.broadcast %jit3A_125 : f32 to vector<16x16x128xf32>
    %select_n3A_127 = arith.select %eq3A_124, %broadcast_in_dim3A_126, %select_n3A_101 : vector<16x16x128xi1>, vector<16x16x128xf32>
    %reduce_max3A_128 = arith.constant dense<0xFF800000> : vector<16x16xf32>
    %reduce_max3A_129 = vector.multi_reduction <maximumf>, %select_n3A_127, %reduce_max3A_128 [2] : vector<16x16x128xf32> to vector<16x16xf32>
    %broadcast_in_dim3A_130 = vector.shape_cast %reduce_max3A_129 : vector<16x16xf32> to vector<16x16x1xf32>
    %reduce_max3A_131 = arith.constant dense<0xFF800000> : vector<16x1xf32>
    %reduce_max3A_132 = vector.multi_reduction <maximumf>, %broadcast_in_dim3A_130, %reduce_max3A_131 [1] : vector<16x16x1xf32> to vector<16x1xf32>
    %broadcast_in_dim3A_133 = vector.shape_cast %reduce_max3A_132 : vector<16x1xf32> to vector<16x1x1xf32>
    %ge3A_134 = vector.broadcast %broadcast_in_dim3A_133 : vector<16x1x1xf32> to vector<16x16x128xf32>
    %ge3A_135 = arith.cmpf oge, %select_n3A_127, %ge3A_134 : vector<16x16x128xf32>
    %jit3A_136 = arith.constant 1073741824 : i32
    %broadcast_in_dim3A_137 = vector.broadcast %jit3A_136 : i32 to vector<16x16x128xi32>
    %select_n3A_138 = arith.select %ge3A_135, %add3A, %broadcast_in_dim3A_137 : vector<16x16x128xi1>, vector<16x16x128xi32>
    %reduce_min3A_139 = arith.constant dense<2147483647> : vector<16x16xi32>
    %reduce_min3A_140 = vector.multi_reduction <minsi>, %select_n3A_138, %reduce_min3A_139 [2] : vector<16x16x128xi32> to vector<16x16xi32>
    %broadcast_in_dim3A_141 = vector.shape_cast %reduce_min3A_140 : vector<16x16xi32> to vector<16x16x1xi32>
    %reduce_min3A_142 = arith.constant dense<2147483647> : vector<16x1xi32>
    %reduce_min3A_143 = vector.multi_reduction <minsi>, %broadcast_in_dim3A_141, %reduce_min3A_142 [1] : vector<16x16x1xi32> to vector<16x1xi32>
    %broadcast_in_dim3A_144 = vector.shape_cast %reduce_min3A_143 : vector<16x1xi32> to vector<16x1x1xi32>
    %swap3A_145 = arith.constant 0 : index
    %swap3A_146 = arith.constant 0 : index
    %swap3A_147 = arith.constant 5 : index
    %swap3A_148 = vector.load %arg2[%swap3A_145, %swap3A_146, %swap3A_147] : memref<16x1x40xi32, #tpu.memory_space<vmem>>, vector<16x1x1xi32>
    tpu.vector_store %arg2[%swap3A_145, %swap3A_146, %swap3A_147], %broadcast_in_dim3A_144 {strides = array<i32>} : memref<16x1x40xi32, #tpu.memory_space<vmem>>, vector<16x1x1xi32>,
    %eq3A_149 = vector.broadcast %broadcast_in_dim3A_144 : vector<16x1x1xi32> to vector<16x16x128xi32>
    %eq3A_150 = arith.cmpi eq, %add3A, %eq3A_149 : vector<16x16x128xi32>
    %jit3A_151 = arith.constant -3.000000e+38 : f32
    %broadcast_in_dim3A_152 = vector.broadcast %jit3A_151 : f32 to vector<16x16x128xf32>
    %select_n3A_153 = arith.select %eq3A_150, %broadcast_in_dim3A_152, %select_n3A_127 : vector<16x16x128xi1>, vector<16x16x128xf32>
    %reduce_max3A_154 = arith.constant dense<0xFF800000> : vector<16x16xf32>
    %reduce_max3A_155 = vector.multi_reduction <maximumf>, %select_n3A_153, %reduce_max3A_154 [2] : vector<16x16x128xf32> to vector<16x16xf32>
    %broadcast_in_dim3A_156 = vector.shape_cast %reduce_max3A_155 : vector<16x16xf32> to vector<16x16x1xf32>
    %reduce_max3A_157 = arith.constant dense<0xFF800000> : vector<16x1xf32>
    %reduce_max3A_158 = vector.multi_reduction <maximumf>, %broadcast_in_dim3A_156, %reduce_max3A_157 [1] : vector<16x16x1xf32> to vector<16x1xf32>
    %broadcast_in_dim3A_159 = vector.shape_cast %reduce_max3A_158 : vector<16x1xf32> to vector<16x1x1xf32>
    %ge3A_160 = vector.broadcast %broadcast_in_dim3A_159 : vector<16x1x1xf32> to vector<16x16x128xf32>
    %ge3A_161 = arith.cmpf oge, %select_n3A_153, %ge3A_160 : vector<16x16x128xf32>
    %jit3A_162 = arith.constant 1073741824 : i32
    %broadcast_in_dim3A_163 = vector.broadcast %jit3A_162 : i32 to vector<16x16x128xi32>
    %select_n3A_164 = arith.select %ge3A_161, %add3A, %broadcast_in_dim3A_163 : vector<16x16x128xi1>, vector<16x16x128xi32>
    %reduce_min3A_165 = arith.constant dense<2147483647> : vector<16x16xi32>
    %reduce_min3A_166 = vector.multi_reduction <minsi>, %select_n3A_164, %reduce_min3A_165 [2] : vector<16x16x128xi32> to vector<16x16xi32>
    %broadcast_in_dim3A_167 = vector.shape_cast %reduce_min3A_166 : vector<16x16xi32> to vector<16x16x1xi32>
    %reduce_min3A_168 = arith.constant dense<2147483647> : vector<16x1xi32>
    %reduce_min3A_169 = vector.multi_reduction <minsi>, %broadcast_in_dim3A_167, %reduce_min3A_168 [1] : vector<16x16x1xi32> to vector<16x1xi32>
    %broadcast_in_dim3A_170 = vector.shape_cast %reduce_min3A_169 : vector<16x1xi32> to vector<16x1x1xi32>
    %swap3A_171 = arith.constant 0 : index
    %swap3A_172 = arith.constant 0 : index
    %swap3A_173 = arith.constant 6 : index
    %swap3A_174 = vector.load %arg2[%swap3A_171, %swap3A_172, %swap3A_173] : memref<16x1x40xi32, #tpu.memory_space<vmem>>, vector<16x1x1xi32>
    tpu.vector_store %arg2[%swap3A_171, %swap3A_172, %swap3A_173], %broadcast_in_dim3A_170 {strides = array<i32>} : memref<16x1x40xi32, #tpu.memory_space<vmem>>, vector<16x1x1xi32>,
    %eq3A_175 = vector.broadcast %broadcast_in_dim3A_170 : vector<16x1x1xi32> to vector<16x16x128xi32>
    %eq3A_176 = arith.cmpi eq, %add3A, %eq3A_175 : vector<16x16x128xi32>
    %jit3A_177 = arith.constant -3.000000e+38 : f32
    %broadcast_in_dim3A_178 = vector.broadcast %jit3A_177 : f32 to vector<16x16x128xf32>
    %select_n3A_179 = arith.select %eq3A_176, %broadcast_in_dim3A_178, %select_n3A_153 : vector<16x16x128xi1>, vector<16x16x128xf32>
    %reduce_max3A_180 = arith.constant dense<0xFF800000> : vector<16x16xf32>
    %reduce_max3A_181 = vector.multi_reduction <maximumf>, %select_n3A_179, %reduce_max3A_180 [2] : vector<16x16x128xf32> to vector<16x16xf32>
    %broadcast_in_dim3A_182 = vector.shape_cast %reduce_max3A_181 : vector<16x16xf32> to vector<16x16x1xf32>
    %reduce_max3A_183 = arith.constant dense<0xFF800000> : vector<16x1xf32>
    %reduce_max3A_184 = vector.multi_reduction <maximumf>, %broadcast_in_dim3A_182, %reduce_max3A_183 [1] : vector<16x16x1xf32> to vector<16x1xf32>
    %broadcast_in_dim3A_185 = vector.shape_cast %reduce_max3A_184 : vector<16x1xf32> to vector<16x1x1xf32>
    %ge3A_186 = vector.broadcast %broadcast_in_dim3A_185 : vector<16x1x1xf32> to vector<16x16x128xf32>
    %ge3A_187 = arith.cmpf oge, %select_n3A_179, %ge3A_186 : vector<16x16x128xf32>
    %jit3A_188 = arith.constant 1073741824 : i32
    %broadcast_in_dim3A_189 = vector.broadcast %jit3A_188 : i32 to vector<16x16x128xi32>
    %select_n3A_190 = arith.select %ge3A_187, %add3A, %broadcast_in_dim3A_189 : vector<16x16x128xi1>, vector<16x16x128xi32>
    %reduce_min3A_191 = arith.constant dense<2147483647> : vector<16x16xi32>
    %reduce_min3A_192 = vector.multi_reduction <minsi>, %select_n3A_190, %reduce_min3A_191 [2] : vector<16x16x128xi32> to vector<16x16xi32>
    %broadcast_in_dim3A_193 = vector.shape_cast %reduce_min3A_192 : vector<16x16xi32> to vector<16x16x1xi32>
    %reduce_min3A_194 = arith.constant dense<2147483647> : vector<16x1xi32>
    %reduce_min3A_195 = vector.multi_reduction <minsi>, %broadcast_in_dim3A_193, %reduce_min3A_194 [1] : vector<16x16x1xi32> to vector<16x1xi32>
    %broadcast_in_dim3A_196 = vector.shape_cast %reduce_min3A_195 : vector<16x1xi32> to vector<16x1x1xi32>
    %swap3A_197 = arith.constant 0 : index
    %swap3A_198 = arith.constant 0 : index
    %swap3A_199 = arith.constant 7 : index
    %swap3A_200 = vector.load %arg2[%swap3A_197, %swap3A_198, %swap3A_199] : memref<16x1x40xi32, #tpu.memory_space<vmem>>, vector<16x1x1xi32>
    tpu.vector_store %arg2[%swap3A_197, %swap3A_198, %swap3A_199], %broadcast_in_dim3A_196 {strides = array<i32>} : memref<16x1x40xi32, #tpu.memory_space<vmem>>, vector<16x1x1xi32>,
    %eq3A_201 = vector.broadcast %broadcast_in_dim3A_196 : vector<16x1x1xi32> to vector<16x16x128xi32>
    %eq3A_202 = arith.cmpi eq, %add3A, %eq3A_201 : vector<16x16x128xi32>
    %jit3A_203 = arith.constant -3.000000e+38 : f32
    %broadcast_in_dim3A_204 = vector.broadcast %jit3A_203 : f32 to vector<16x16x128xf32>
    %select_n3A_205 = arith.select %eq3A_202, %broadcast_in_dim3A_204, %select_n3A_179 : vector<16x16x128xi1>, vector<16x16x128xf32>
    %reduce_max3A_206 = arith.constant dense<0xFF800000> : vector<16x16xf32>
    %reduce_max3A_207 = vector.multi_reduction <maximumf>, %select_n3A_205, %reduce_max3A_206 [2] : vector<16x16x128xf32> to vector<16x16xf32>
    %broadcast_in_dim3A_208 = vector.shape_cast %reduce_max3A_207 : vector<16x16xf32> to vector<16x16x1xf32>
    %reduce_max3A_209 = arith.constant dense<0xFF800000> : vector<16x1xf32>
    %reduce_max3A_210 = vector.multi_reduction <maximumf>, %broadcast_in_dim3A_208, %reduce_max3A_209 [1] : vector<16x16x1xf32> to vector<16x1xf32>
    %broadcast_in_dim3A_211 = vector.shape_cast %reduce_max3A_210 : vector<16x1xf32> to vector<16x1x1xf32>
    %ge3A_212 = vector.broadcast %broadcast_in_dim3A_211 : vector<16x1x1xf32> to vector<16x16x128xf32>
    %ge3A_213 = arith.cmpf oge, %select_n3A_205, %ge3A_212 : vector<16x16x128xf32>
    %jit3A_214 = arith.constant 1073741824 : i32
    %broadcast_in_dim3A_215 = vector.broadcast %jit3A_214 : i32 to vector<16x16x128xi32>
    %select_n3A_216 = arith.select %ge3A_213, %add3A, %broadcast_in_dim3A_215 : vector<16x16x128xi1>, vector<16x16x128xi32>
    %reduce_min3A_217 = arith.constant dense<2147483647> : vector<16x16xi32>
    %reduce_min3A_218 = vector.multi_reduction <minsi>, %select_n3A_216, %reduce_min3A_217 [2] : vector<16x16x128xi32> to vector<16x16xi32>
    %broadcast_in_dim3A_219 = vector.shape_cast %reduce_min3A_218 : vector<16x16xi32> to vector<16x16x1xi32>
    %reduce_min3A_220 = arith.constant dense<2147483647> : vector<16x1xi32>
    %reduce_min3A_221 = vector.multi_reduction <minsi>, %broadcast_in_dim3A_219, %reduce_min3A_220 [1] : vector<16x16x1xi32> to vector<16x1xi32>
    %broadcast_in_dim3A_222 = vector.shape_cast %reduce_min3A_221 : vector<16x1xi32> to vector<16x1x1xi32>
    %swap3A_223 = arith.constant 0 : index
    %swap3A_224 = arith.constant 0 : index
    %swap3A_225 = arith.constant 8 : index
    %swap3A_226 = vector.load %arg2[%swap3A_223, %swap3A_224, %swap3A_225] : memref<16x1x40xi32, #tpu.memory_space<vmem>>, vector<16x1x1xi32>
    tpu.vector_store %arg2[%swap3A_223, %swap3A_224, %swap3A_225], %broadcast_in_dim3A_222 {strides = array<i32>} : memref<16x1x40xi32, #tpu.memory_space<vmem>>, vector<16x1x1xi32>,
    %eq3A_227 = vector.broadcast %broadcast_in_dim3A_222 : vector<16x1x1xi32> to vector<16x16x128xi32>
    %eq3A_228 = arith.cmpi eq, %add3A, %eq3A_227 : vector<16x16x128xi32>
    %jit3A_229 = arith.constant -3.000000e+38 : f32
    %broadcast_in_dim3A_230 = vector.broadcast %jit3A_229 : f32 to vector<16x16x128xf32>
    %select_n3A_231 = arith.select %eq3A_228, %broadcast_in_dim3A_230, %select_n3A_205 : vector<16x16x128xi1>, vector<16x16x128xf32>
    %reduce_max3A_232 = arith.constant dense<0xFF800000> : vector<16x16xf32>
    %reduce_max3A_233 = vector.multi_reduction <maximumf>, %select_n3A_231, %reduce_max3A_232 [2] : vector<16x16x128xf32> to vector<16x16xf32>
    %broadcast_in_dim3A_234 = vector.shape_cast %reduce_max3A_233 : vector<16x16xf32> to vector<16x16x1xf32>
    %reduce_max3A_235 = arith.constant dense<0xFF800000> : vector<16x1xf32>
    %reduce_max3A_236 = vector.multi_reduction <maximumf>, %broadcast_in_dim3A_234, %reduce_max3A_235 [1] : vector<16x16x1xf32> to vector<16x1xf32>
    %broadcast_in_dim3A_237 = vector.shape_cast %reduce_max3A_236 : vector<16x1xf32> to vector<16x1x1xf32>
    %ge3A_238 = vector.broadcast %broadcast_in_dim3A_237 : vector<16x1x1xf32> to vector<16x16x128xf32>
    %ge3A_239 = arith.cmpf oge, %select_n3A_231, %ge3A_238 : vector<16x16x128xf32>
    %jit3A_240 = arith.constant 1073741824 : i32
    %broadcast_in_dim3A_241 = vector.broadcast %jit3A_240 : i32 to vector<16x16x128xi32>
    %select_n3A_242 = arith.select %ge3A_239, %add3A, %broadcast_in_dim3A_241 : vector<16x16x128xi1>, vector<16x16x128xi32>
    %reduce_min3A_243 = arith.constant dense<2147483647> : vector<16x16xi32>
    %reduce_min3A_244 = vector.multi_reduction <minsi>, %select_n3A_242, %reduce_min3A_243 [2] : vector<16x16x128xi32> to vector<16x16xi32>
    %broadcast_in_dim3A_245 = vector.shape_cast %reduce_min3A_244 : vector<16x16xi32> to vector<16x16x1xi32>
    %reduce_min3A_246 = arith.constant dense<2147483647> : vector<16x1xi32>
    %reduce_min3A_247 = vector.multi_reduction <minsi>, %broadcast_in_dim3A_245, %reduce_min3A_246 [1] : vector<16x16x1xi32> to vector<16x1xi32>
    %broadcast_in_dim3A_248 = vector.shape_cast %reduce_min3A_247 : vector<16x1xi32> to vector<16x1x1xi32>
    %swap3A_249 = arith.constant 0 : index
    %swap3A_250 = arith.constant 0 : index
    %swap3A_251 = arith.constant 9 : index
    %swap3A_252 = vector.load %arg2[%swap3A_249, %swap3A_250, %swap3A_251] : memref<16x1x40xi32, #tpu.memory_space<vmem>>, vector<16x1x1xi32>
    tpu.vector_store %arg2[%swap3A_249, %swap3A_250, %swap3A_251], %broadcast_in_dim3A_248 {strides = array<i32>} : memref<16x1x40xi32, #tpu.memory_space<vmem>>, vector<16x1x1xi32>,
    %eq3A_253 = vector.broadcast %broadcast_in_dim3A_248 : vector<16x1x1xi32> to vector<16x16x128xi32>
    %eq3A_254 = arith.cmpi eq, %add3A, %eq3A_253 : vector<16x16x128xi32>
    %jit3A_255 = arith.constant -3.000000e+38 : f32
    %broadcast_in_dim3A_256 = vector.broadcast %jit3A_255 : f32 to vector<16x16x128xf32>
    %select_n3A_257 = arith.select %eq3A_254, %broadcast_in_dim3A_256, %select_n3A_231 : vector<16x16x128xi1>, vector<16x16x128xf32>
    %reduce_max3A_258 = arith.constant dense<0xFF800000> : vector<16x16xf32>
    %reduce_max3A_259 = vector.multi_reduction <maximumf>, %select_n3A_257, %reduce_max3A_258 [2] : vector<16x16x128xf32> to vector<16x16xf32>
    %broadcast_in_dim3A_260 = vector.shape_cast %reduce_max3A_259 : vector<16x16xf32> to vector<16x16x1xf32>
    %reduce_max3A_261 = arith.constant dense<0xFF800000> : vector<16x1xf32>
    %reduce_max3A_262 = vector.multi_reduction <maximumf>, %broadcast_in_dim3A_260, %reduce_max3A_261 [1] : vector<16x16x1xf32> to vector<16x1xf32>
    %broadcast_in_dim3A_263 = vector.shape_cast %reduce_max3A_262 : vector<16x1xf32> to vector<16x1x1xf32>
    %ge3A_264 = vector.broadcast %broadcast_in_dim3A_263 : vector<16x1x1xf32> to vector<16x16x128xf32>
    %ge3A_265 = arith.cmpf oge, %select_n3A_257, %ge3A_264 : vector<16x16x128xf32>
    %jit3A_266 = arith.constant 1073741824 : i32
    %broadcast_in_dim3A_267 = vector.broadcast %jit3A_266 : i32 to vector<16x16x128xi32>
    %select_n3A_268 = arith.select %ge3A_265, %add3A, %broadcast_in_dim3A_267 : vector<16x16x128xi1>, vector<16x16x128xi32>
    %reduce_min3A_269 = arith.constant dense<2147483647> : vector<16x16xi32>
    %reduce_min3A_270 = vector.multi_reduction <minsi>, %select_n3A_268, %reduce_min3A_269 [2] : vector<16x16x128xi32> to vector<16x16xi32>
    %broadcast_in_dim3A_271 = vector.shape_cast %reduce_min3A_270 : vector<16x16xi32> to vector<16x16x1xi32>
    %reduce_min3A_272 = arith.constant dense<2147483647> : vector<16x1xi32>
    %reduce_min3A_273 = vector.multi_reduction <minsi>, %broadcast_in_dim3A_271, %reduce_min3A_272 [1] : vector<16x16x1xi32> to vector<16x1xi32>
    %broadcast_in_dim3A_274 = vector.shape_cast %reduce_min3A_273 : vector<16x1xi32> to vector<16x1x1xi32>
    %swap3A_275 = arith.constant 0 : index
    %swap3A_276 = arith.constant 0 : index
    %swap3A_277 = arith.constant 10 : index
    %swap3A_278 = vector.load %arg2[%swap3A_275, %swap3A_276, %swap3A_277] : memref<16x1x40xi32, #tpu.memory_space<vmem>>, vector<16x1x1xi32>
    tpu.vector_store %arg2[%swap3A_275, %swap3A_276, %swap3A_277], %broadcast_in_dim3A_274 {strides = array<i32>} : memref<16x1x40xi32, #tpu.memory_space<vmem>>, vector<16x1x1xi32>,
    %eq3A_279 = vector.broadcast %broadcast_in_dim3A_274 : vector<16x1x1xi32> to vector<16x16x128xi32>
    %eq3A_280 = arith.cmpi eq, %add3A, %eq3A_279 : vector<16x16x128xi32>
    %jit3A_281 = arith.constant -3.000000e+38 : f32
    %broadcast_in_dim3A_282 = vector.broadcast %jit3A_281 : f32 to vector<16x16x128xf32>
    %select_n3A_283 = arith.select %eq3A_280, %broadcast_in_dim3A_282, %select_n3A_257 : vector<16x16x128xi1>, vector<16x16x128xf32>
    %reduce_max3A_284 = arith.constant dense<0xFF800000> : vector<16x16xf32>
    %reduce_max3A_285 = vector.multi_reduction <maximumf>, %select_n3A_283, %reduce_max3A_284 [2] : vector<16x16x128xf32> to vector<16x16xf32>
    %broadcast_in_dim3A_286 = vector.shape_cast %reduce_max3A_285 : vector<16x16xf32> to vector<16x16x1xf32>
    %reduce_max3A_287 = arith.constant dense<0xFF800000> : vector<16x1xf32>
    %reduce_max3A_288 = vector.multi_reduction <maximumf>, %broadcast_in_dim3A_286, %reduce_max3A_287 [1] : vector<16x16x1xf32> to vector<16x1xf32>
    %broadcast_in_dim3A_289 = vector.shape_cast %reduce_max3A_288 : vector<16x1xf32> to vector<16x1x1xf32>
    %ge3A_290 = vector.broadcast %broadcast_in_dim3A_289 : vector<16x1x1xf32> to vector<16x16x128xf32>
    %ge3A_291 = arith.cmpf oge, %select_n3A_283, %ge3A_290 : vector<16x16x128xf32>
    %jit3A_292 = arith.constant 1073741824 : i32
    %broadcast_in_dim3A_293 = vector.broadcast %jit3A_292 : i32 to vector<16x16x128xi32>
    %select_n3A_294 = arith.select %ge3A_291, %add3A, %broadcast_in_dim3A_293 : vector<16x16x128xi1>, vector<16x16x128xi32>
    %reduce_min3A_295 = arith.constant dense<2147483647> : vector<16x16xi32>
    %reduce_min3A_296 = vector.multi_reduction <minsi>, %select_n3A_294, %reduce_min3A_295 [2] : vector<16x16x128xi32> to vector<16x16xi32>
    %broadcast_in_dim3A_297 = vector.shape_cast %reduce_min3A_296 : vector<16x16xi32> to vector<16x16x1xi32>
    %reduce_min3A_298 = arith.constant dense<2147483647> : vector<16x1xi32>
    %reduce_min3A_299 = vector.multi_reduction <minsi>, %broadcast_in_dim3A_297, %reduce_min3A_298 [1] : vector<16x16x1xi32> to vector<16x1xi32>
    %broadcast_in_dim3A_300 = vector.shape_cast %reduce_min3A_299 : vector<16x1xi32> to vector<16x1x1xi32>
    %swap3A_301 = arith.constant 0 : index
    %swap3A_302 = arith.constant 0 : index
    %swap3A_303 = arith.constant 11 : index
    %swap3A_304 = vector.load %arg2[%swap3A_301, %swap3A_302, %swap3A_303] : memref<16x1x40xi32, #tpu.memory_space<vmem>>, vector<16x1x1xi32>
    tpu.vector_store %arg2[%swap3A_301, %swap3A_302, %swap3A_303], %broadcast_in_dim3A_300 {strides = array<i32>} : memref<16x1x40xi32, #tpu.memory_space<vmem>>, vector<16x1x1xi32>,
    %eq3A_305 = vector.broadcast %broadcast_in_dim3A_300 : vector<16x1x1xi32> to vector<16x16x128xi32>
    %eq3A_306 = arith.cmpi eq, %add3A, %eq3A_305 : vector<16x16x128xi32>
    %jit3A_307 = arith.constant -3.000000e+38 : f32
    %broadcast_in_dim3A_308 = vector.broadcast %jit3A_307 : f32 to vector<16x16x128xf32>
    %select_n3A_309 = arith.select %eq3A_306, %broadcast_in_dim3A_308, %select_n3A_283 : vector<16x16x128xi1>, vector<16x16x128xf32>
    %reduce_max3A_310 = arith.constant dense<0xFF800000> : vector<16x16xf32>
    %reduce_max3A_311 = vector.multi_reduction <maximumf>, %select_n3A_309, %reduce_max3A_310 [2] : vector<16x16x128xf32> to vector<16x16xf32>
    %broadcast_in_dim3A_312 = vector.shape_cast %reduce_max3A_311 : vector<16x16xf32> to vector<16x16x1xf32>
    %reduce_max3A_313 = arith.constant dense<0xFF800000> : vector<16x1xf32>
    %reduce_max3A_314 = vector.multi_reduction <maximumf>, %broadcast_in_dim3A_312, %reduce_max3A_313 [1] : vector<16x16x1xf32> to vector<16x1xf32>
    %broadcast_in_dim3A_315 = vector.shape_cast %reduce_max3A_314 : vector<16x1xf32> to vector<16x1x1xf32>
    %ge3A_316 = vector.broadcast %broadcast_in_dim3A_315 : vector<16x1x1xf32> to vector<16x16x128xf32>
    %ge3A_317 = arith.cmpf oge, %select_n3A_309, %ge3A_316 : vector<16x16x128xf32>
    %jit3A_318 = arith.constant 1073741824 : i32
    %broadcast_in_dim3A_319 = vector.broadcast %jit3A_318 : i32 to vector<16x16x128xi32>
    %select_n3A_320 = arith.select %ge3A_317, %add3A, %broadcast_in_dim3A_319 : vector<16x16x128xi1>, vector<16x16x128xi32>
    %reduce_min3A_321 = arith.constant dense<2147483647> : vector<16x16xi32>
    %reduce_min3A_322 = vector.multi_reduction <minsi>, %select_n3A_320, %reduce_min3A_321 [2] : vector<16x16x128xi32> to vector<16x16xi32>
    %broadcast_in_dim3A_323 = vector.shape_cast %reduce_min3A_322 : vector<16x16xi32> to vector<16x16x1xi32>
    %reduce_min3A_324 = arith.constant dense<2147483647> : vector<16x1xi32>
    %reduce_min3A_325 = vector.multi_reduction <minsi>, %broadcast_in_dim3A_323, %reduce_min3A_324 [1] : vector<16x16x1xi32> to vector<16x1xi32>
    %broadcast_in_dim3A_326 = vector.shape_cast %reduce_min3A_325 : vector<16x1xi32> to vector<16x1x1xi32>
    %swap3A_327 = arith.constant 0 : index
    %swap3A_328 = arith.constant 0 : index
    %swap3A_329 = arith.constant 12 : index
    %swap3A_330 = vector.load %arg2[%swap3A_327, %swap3A_328, %swap3A_329] : memref<16x1x40xi32, #tpu.memory_space<vmem>>, vector<16x1x1xi32>
    tpu.vector_store %arg2[%swap3A_327, %swap3A_328, %swap3A_329], %broadcast_in_dim3A_326 {strides = array<i32>} : memref<16x1x40xi32, #tpu.memory_space<vmem>>, vector<16x1x1xi32>,
    %eq3A_331 = vector.broadcast %broadcast_in_dim3A_326 : vector<16x1x1xi32> to vector<16x16x128xi32>
    %eq3A_332 = arith.cmpi eq, %add3A, %eq3A_331 : vector<16x16x128xi32>
    %jit3A_333 = arith.constant -3.000000e+38 : f32
    %broadcast_in_dim3A_334 = vector.broadcast %jit3A_333 : f32 to vector<16x16x128xf32>
    %select_n3A_335 = arith.select %eq3A_332, %broadcast_in_dim3A_334, %select_n3A_309 : vector<16x16x128xi1>, vector<16x16x128xf32>
    %reduce_max3A_336 = arith.constant dense<0xFF800000> : vector<16x16xf32>
    %reduce_max3A_337 = vector.multi_reduction <maximumf>, %select_n3A_335, %reduce_max3A_336 [2] : vector<16x16x128xf32> to vector<16x16xf32>
    %broadcast_in_dim3A_338 = vector.shape_cast %reduce_max3A_337 : vector<16x16xf32> to vector<16x16x1xf32>
    %reduce_max3A_339 = arith.constant dense<0xFF800000> : vector<16x1xf32>
    %reduce_max3A_340 = vector.multi_reduction <maximumf>, %broadcast_in_dim3A_338, %reduce_max3A_339 [1] : vector<16x16x1xf32> to vector<16x1xf32>
    %broadcast_in_dim3A_341 = vector.shape_cast %reduce_max3A_340 : vector<16x1xf32> to vector<16x1x1xf32>
    %ge3A_342 = vector.broadcast %broadcast_in_dim3A_341 : vector<16x1x1xf32> to vector<16x16x128xf32>
    %ge3A_343 = arith.cmpf oge, %select_n3A_335, %ge3A_342 : vector<16x16x128xf32>
    %jit3A_344 = arith.constant 1073741824 : i32
    %broadcast_in_dim3A_345 = vector.broadcast %jit3A_344 : i32 to vector<16x16x128xi32>
    %select_n3A_346 = arith.select %ge3A_343, %add3A, %broadcast_in_dim3A_345 : vector<16x16x128xi1>, vector<16x16x128xi32>
    %reduce_min3A_347 = arith.constant dense<2147483647> : vector<16x16xi32>
    %reduce_min3A_348 = vector.multi_reduction <minsi>, %select_n3A_346, %reduce_min3A_347 [2] : vector<16x16x128xi32> to vector<16x16xi32>
    %broadcast_in_dim3A_349 = vector.shape_cast %reduce_min3A_348 : vector<16x16xi32> to vector<16x16x1xi32>
    %reduce_min3A_350 = arith.constant dense<2147483647> : vector<16x1xi32>
    %reduce_min3A_351 = vector.multi_reduction <minsi>, %broadcast_in_dim3A_349, %reduce_min3A_350 [1] : vector<16x16x1xi32> to vector<16x1xi32>
    %broadcast_in_dim3A_352 = vector.shape_cast %reduce_min3A_351 : vector<16x1xi32> to vector<16x1x1xi32>
    %swap3A_353 = arith.constant 0 : index
    %swap3A_354 = arith.constant 0 : index
    %swap3A_355 = arith.constant 13 : index
    %swap3A_356 = vector.load %arg2[%swap3A_353, %swap3A_354, %swap3A_355] : memref<16x1x40xi32, #tpu.memory_space<vmem>>, vector<16x1x1xi32>
    tpu.vector_store %arg2[%swap3A_353, %swap3A_354, %swap3A_355], %broadcast_in_dim3A_352 {strides = array<i32>} : memref<16x1x40xi32, #tpu.memory_space<vmem>>, vector<16x1x1xi32>,
    %eq3A_357 = vector.broadcast %broadcast_in_dim3A_352 : vector<16x1x1xi32> to vector<16x16x128xi32>
    %eq3A_358 = arith.cmpi eq, %add3A, %eq3A_357 : vector<16x16x128xi32>
    %jit3A_359 = arith.constant -3.000000e+38 : f32
    %broadcast_in_dim3A_360 = vector.broadcast %jit3A_359 : f32 to vector<16x16x128xf32>
    %select_n3A_361 = arith.select %eq3A_358, %broadcast_in_dim3A_360, %select_n3A_335 : vector<16x16x128xi1>, vector<16x16x128xf32>
    %reduce_max3A_362 = arith.constant dense<0xFF800000> : vector<16x16xf32>
    %reduce_max3A_363 = vector.multi_reduction <maximumf>, %select_n3A_361, %reduce_max3A_362 [2] : vector<16x16x128xf32> to vector<16x16xf32>
    %broadcast_in_dim3A_364 = vector.shape_cast %reduce_max3A_363 : vector<16x16xf32> to vector<16x16x1xf32>
    %reduce_max3A_365 = arith.constant dense<0xFF800000> : vector<16x1xf32>
    %reduce_max3A_366 = vector.multi_reduction <maximumf>, %broadcast_in_dim3A_364, %reduce_max3A_365 [1] : vector<16x16x1xf32> to vector<16x1xf32>
    %broadcast_in_dim3A_367 = vector.shape_cast %reduce_max3A_366 : vector<16x1xf32> to vector<16x1x1xf32>
    %ge3A_368 = vector.broadcast %broadcast_in_dim3A_367 : vector<16x1x1xf32> to vector<16x16x128xf32>
    %ge3A_369 = arith.cmpf oge, %select_n3A_361, %ge3A_368 : vector<16x16x128xf32>
    %jit3A_370 = arith.constant 1073741824 : i32
    %broadcast_in_dim3A_371 = vector.broadcast %jit3A_370 : i32 to vector<16x16x128xi32>
    %select_n3A_372 = arith.select %ge3A_369, %add3A, %broadcast_in_dim3A_371 : vector<16x16x128xi1>, vector<16x16x128xi32>
    %reduce_min3A_373 = arith.constant dense<2147483647> : vector<16x16xi32>
    %reduce_min3A_374 = vector.multi_reduction <minsi>, %select_n3A_372, %reduce_min3A_373 [2] : vector<16x16x128xi32> to vector<16x16xi32>
    %broadcast_in_dim3A_375 = vector.shape_cast %reduce_min3A_374 : vector<16x16xi32> to vector<16x16x1xi32>
    %reduce_min3A_376 = arith.constant dense<2147483647> : vector<16x1xi32>
    %reduce_min3A_377 = vector.multi_reduction <minsi>, %broadcast_in_dim3A_375, %reduce_min3A_376 [1] : vector<16x16x1xi32> to vector<16x1xi32>
    %broadcast_in_dim3A_378 = vector.shape_cast %reduce_min3A_377 : vector<16x1xi32> to vector<16x1x1xi32>
    %swap3A_379 = arith.constant 0 : index
    %swap3A_380 = arith.constant 0 : index
    %swap3A_381 = arith.constant 14 : index
    %swap3A_382 = vector.load %arg2[%swap3A_379, %swap3A_380, %swap3A_381] : memref<16x1x40xi32, #tpu.memory_space<vmem>>, vector<16x1x1xi32>
    tpu.vector_store %arg2[%swap3A_379, %swap3A_380, %swap3A_381], %broadcast_in_dim3A_378 {strides = array<i32>} : memref<16x1x40xi32, #tpu.memory_space<vmem>>, vector<16x1x1xi32>,
    %eq3A_383 = vector.broadcast %broadcast_in_dim3A_378 : vector<16x1x1xi32> to vector<16x16x128xi32>
    %eq3A_384 = arith.cmpi eq, %add3A, %eq3A_383 : vector<16x16x128xi32>
    %jit3A_385 = arith.constant -3.000000e+38 : f32
    %broadcast_in_dim3A_386 = vector.broadcast %jit3A_385 : f32 to vector<16x16x128xf32>
    %select_n3A_387 = arith.select %eq3A_384, %broadcast_in_dim3A_386, %select_n3A_361 : vector<16x16x128xi1>, vector<16x16x128xf32>
    %reduce_max3A_388 = arith.constant dense<0xFF800000> : vector<16x16xf32>
    %reduce_max3A_389 = vector.multi_reduction <maximumf>, %select_n3A_387, %reduce_max3A_388 [2] : vector<16x16x128xf32> to vector<16x16xf32>
    %broadcast_in_dim3A_390 = vector.shape_cast %reduce_max3A_389 : vector<16x16xf32> to vector<16x16x1xf32>
    %reduce_max3A_391 = arith.constant dense<0xFF800000> : vector<16x1xf32>
    %reduce_max3A_392 = vector.multi_reduction <maximumf>, %broadcast_in_dim3A_390, %reduce_max3A_391 [1] : vector<16x16x1xf32> to vector<16x1xf32>
    %broadcast_in_dim3A_393 = vector.shape_cast %reduce_max3A_392 : vector<16x1xf32> to vector<16x1x1xf32>
    %ge3A_394 = vector.broadcast %broadcast_in_dim3A_393 : vector<16x1x1xf32> to vector<16x16x128xf32>
    %ge3A_395 = arith.cmpf oge, %select_n3A_387, %ge3A_394 : vector<16x16x128xf32>
    %jit3A_396 = arith.constant 1073741824 : i32
    %broadcast_in_dim3A_397 = vector.broadcast %jit3A_396 : i32 to vector<16x16x128xi32>
    %select_n3A_398 = arith.select %ge3A_395, %add3A, %broadcast_in_dim3A_397 : vector<16x16x128xi1>, vector<16x16x128xi32>
    %reduce_min3A_399 = arith.constant dense<2147483647> : vector<16x16xi32>
    %reduce_min3A_400 = vector.multi_reduction <minsi>, %select_n3A_398, %reduce_min3A_399 [2] : vector<16x16x128xi32> to vector<16x16xi32>
    %broadcast_in_dim3A_401 = vector.shape_cast %reduce_min3A_400 : vector<16x16xi32> to vector<16x16x1xi32>
    %reduce_min3A_402 = arith.constant dense<2147483647> : vector<16x1xi32>
    %reduce_min3A_403 = vector.multi_reduction <minsi>, %broadcast_in_dim3A_401, %reduce_min3A_402 [1] : vector<16x16x1xi32> to vector<16x1xi32>
    %broadcast_in_dim3A_404 = vector.shape_cast %reduce_min3A_403 : vector<16x1xi32> to vector<16x1x1xi32>
    %swap3A_405 = arith.constant 0 : index
    %swap3A_406 = arith.constant 0 : index
    %swap3A_407 = arith.constant 15 : index
    %swap3A_408 = vector.load %arg2[%swap3A_405, %swap3A_406, %swap3A_407] : memref<16x1x40xi32, #tpu.memory_space<vmem>>, vector<16x1x1xi32>
    tpu.vector_store %arg2[%swap3A_405, %swap3A_406, %swap3A_407], %broadcast_in_dim3A_404 {strides = array<i32>} : memref<16x1x40xi32, #tpu.memory_space<vmem>>, vector<16x1x1xi32>,
    %eq3A_409 = vector.broadcast %broadcast_in_dim3A_404 : vector<16x1x1xi32> to vector<16x16x128xi32>
    %eq3A_410 = arith.cmpi eq, %add3A, %eq3A_409 : vector<16x16x128xi32>
    %jit3A_411 = arith.constant -3.000000e+38 : f32
    %broadcast_in_dim3A_412 = vector.broadcast %jit3A_411 : f32 to vector<16x16x128xf32>
    %select_n3A_413 = arith.select %eq3A_410, %broadcast_in_dim3A_412, %select_n3A_387 : vector<16x16x128xi1>, vector<16x16x128xf32>
    %reduce_max3A_414 = arith.constant dense<0xFF800000> : vector<16x16xf32>
    %reduce_max3A_415 = vector.multi_reduction <maximumf>, %select_n3A_413, %reduce_max3A_414 [2] : vector<16x16x128xf32> to vector<16x16xf32>
    %broadcast_in_dim3A_416 = vector.shape_cast %reduce_max3A_415 : vector<16x16xf32> to vector<16x16x1xf32>
    %reduce_max3A_417 = arith.constant dense<0xFF800000> : vector<16x1xf32>
    %reduce_max3A_418 = vector.multi_reduction <maximumf>, %broadcast_in_dim3A_416, %reduce_max3A_417 [1] : vector<16x16x1xf32> to vector<16x1xf32>
    %broadcast_in_dim3A_419 = vector.shape_cast %reduce_max3A_418 : vector<16x1xf32> to vector<16x1x1xf32>
    %ge3A_420 = vector.broadcast %broadcast_in_dim3A_419 : vector<16x1x1xf32> to vector<16x16x128xf32>
    %ge3A_421 = arith.cmpf oge, %select_n3A_413, %ge3A_420 : vector<16x16x128xf32>
    %jit3A_422 = arith.constant 1073741824 : i32
    %broadcast_in_dim3A_423 = vector.broadcast %jit3A_422 : i32 to vector<16x16x128xi32>
    %select_n3A_424 = arith.select %ge3A_421, %add3A, %broadcast_in_dim3A_423 : vector<16x16x128xi1>, vector<16x16x128xi32>
    %reduce_min3A_425 = arith.constant dense<2147483647> : vector<16x16xi32>
    %reduce_min3A_426 = vector.multi_reduction <minsi>, %select_n3A_424, %reduce_min3A_425 [2] : vector<16x16x128xi32> to vector<16x16xi32>
    %broadcast_in_dim3A_427 = vector.shape_cast %reduce_min3A_426 : vector<16x16xi32> to vector<16x16x1xi32>
    %reduce_min3A_428 = arith.constant dense<2147483647> : vector<16x1xi32>
    %reduce_min3A_429 = vector.multi_reduction <minsi>, %broadcast_in_dim3A_427, %reduce_min3A_428 [1] : vector<16x16x1xi32> to vector<16x1xi32>
    %broadcast_in_dim3A_430 = vector.shape_cast %reduce_min3A_429 : vector<16x1xi32> to vector<16x1x1xi32>
    %swap3A_431 = arith.constant 0 : index
    %swap3A_432 = arith.constant 0 : index
    %swap3A_433 = arith.constant 16 : index
    %swap3A_434 = vector.load %arg2[%swap3A_431, %swap3A_432, %swap3A_433] : memref<16x1x40xi32, #tpu.memory_space<vmem>>, vector<16x1x1xi32>
    tpu.vector_store %arg2[%swap3A_431, %swap3A_432, %swap3A_433], %broadcast_in_dim3A_430 {strides = array<i32>} : memref<16x1x40xi32, #tpu.memory_space<vmem>>, vector<16x1x1xi32>,
    %eq3A_435 = vector.broadcast %broadcast_in_dim3A_430 : vector<16x1x1xi32> to vector<16x16x128xi32>
    %eq3A_436 = arith.cmpi eq, %add3A, %eq3A_435 : vector<16x16x128xi32>
    %jit3A_437 = arith.constant -3.000000e+38 : f32
    %broadcast_in_dim3A_438 = vector.broadcast %jit3A_437 : f32 to vector<16x16x128xf32>
    %select_n3A_439 = arith.select %eq3A_436, %broadcast_in_dim3A_438, %select_n3A_413 : vector<16x16x128xi1>, vector<16x16x128xf32>
    %reduce_max3A_440 = arith.constant dense<0xFF800000> : vector<16x16xf32>
    %reduce_max3A_441 = vector.multi_reduction <maximumf>, %select_n3A_439, %reduce_max3A_440 [2] : vector<16x16x128xf32> to vector<16x16xf32>
    %broadcast_in_dim3A_442 = vector.shape_cast %reduce_max3A_441 : vector<16x16xf32> to vector<16x16x1xf32>
    %reduce_max3A_443 = arith.constant dense<0xFF800000> : vector<16x1xf32>
    %reduce_max3A_444 = vector.multi_reduction <maximumf>, %broadcast_in_dim3A_442, %reduce_max3A_443 [1] : vector<16x16x1xf32> to vector<16x1xf32>
    %broadcast_in_dim3A_445 = vector.shape_cast %reduce_max3A_444 : vector<16x1xf32> to vector<16x1x1xf32>
    %ge3A_446 = vector.broadcast %broadcast_in_dim3A_445 : vector<16x1x1xf32> to vector<16x16x128xf32>
    %ge3A_447 = arith.cmpf oge, %select_n3A_439, %ge3A_446 : vector<16x16x128xf32>
    %jit3A_448 = arith.constant 1073741824 : i32
    %broadcast_in_dim3A_449 = vector.broadcast %jit3A_448 : i32 to vector<16x16x128xi32>
    %select_n3A_450 = arith.select %ge3A_447, %add3A, %broadcast_in_dim3A_449 : vector<16x16x128xi1>, vector<16x16x128xi32>
    %reduce_min3A_451 = arith.constant dense<2147483647> : vector<16x16xi32>
    %reduce_min3A_452 = vector.multi_reduction <minsi>, %select_n3A_450, %reduce_min3A_451 [2] : vector<16x16x128xi32> to vector<16x16xi32>
    %broadcast_in_dim3A_453 = vector.shape_cast %reduce_min3A_452 : vector<16x16xi32> to vector<16x16x1xi32>
    %reduce_min3A_454 = arith.constant dense<2147483647> : vector<16x1xi32>
    %reduce_min3A_455 = vector.multi_reduction <minsi>, %broadcast_in_dim3A_453, %reduce_min3A_454 [1] : vector<16x16x1xi32> to vector<16x1xi32>
    %broadcast_in_dim3A_456 = vector.shape_cast %reduce_min3A_455 : vector<16x1xi32> to vector<16x1x1xi32>
    %swap3A_457 = arith.constant 0 : index
    %swap3A_458 = arith.constant 0 : index
    %swap3A_459 = arith.constant 17 : index
    %swap3A_460 = vector.load %arg2[%swap3A_457, %swap3A_458, %swap3A_459] : memref<16x1x40xi32, #tpu.memory_space<vmem>>, vector<16x1x1xi32>
    tpu.vector_store %arg2[%swap3A_457, %swap3A_458, %swap3A_459], %broadcast_in_dim3A_456 {strides = array<i32>} : memref<16x1x40xi32, #tpu.memory_space<vmem>>, vector<16x1x1xi32>,
    %eq3A_461 = vector.broadcast %broadcast_in_dim3A_456 : vector<16x1x1xi32> to vector<16x16x128xi32>
    %eq3A_462 = arith.cmpi eq, %add3A, %eq3A_461 : vector<16x16x128xi32>
    %jit3A_463 = arith.constant -3.000000e+38 : f32
    %broadcast_in_dim3A_464 = vector.broadcast %jit3A_463 : f32 to vector<16x16x128xf32>
    %select_n3A_465 = arith.select %eq3A_462, %broadcast_in_dim3A_464, %select_n3A_439 : vector<16x16x128xi1>, vector<16x16x128xf32>
    %reduce_max3A_466 = arith.constant dense<0xFF800000> : vector<16x16xf32>
    %reduce_max3A_467 = vector.multi_reduction <maximumf>, %select_n3A_465, %reduce_max3A_466 [2] : vector<16x16x128xf32> to vector<16x16xf32>
    %broadcast_in_dim3A_468 = vector.shape_cast %reduce_max3A_467 : vector<16x16xf32> to vector<16x16x1xf32>
    %reduce_max3A_469 = arith.constant dense<0xFF800000> : vector<16x1xf32>
    %reduce_max3A_470 = vector.multi_reduction <maximumf>, %broadcast_in_dim3A_468, %reduce_max3A_469 [1] : vector<16x16x1xf32> to vector<16x1xf32>
    %broadcast_in_dim3A_471 = vector.shape_cast %reduce_max3A_470 : vector<16x1xf32> to vector<16x1x1xf32>
    %ge3A_472 = vector.broadcast %broadcast_in_dim3A_471 : vector<16x1x1xf32> to vector<16x16x128xf32>
    %ge3A_473 = arith.cmpf oge, %select_n3A_465, %ge3A_472 : vector<16x16x128xf32>
    %jit3A_474 = arith.constant 1073741824 : i32
    %broadcast_in_dim3A_475 = vector.broadcast %jit3A_474 : i32 to vector<16x16x128xi32>
    %select_n3A_476 = arith.select %ge3A_473, %add3A, %broadcast_in_dim3A_475 : vector<16x16x128xi1>, vector<16x16x128xi32>
    %reduce_min3A_477 = arith.constant dense<2147483647> : vector<16x16xi32>
    %reduce_min3A_478 = vector.multi_reduction <minsi>, %select_n3A_476, %reduce_min3A_477 [2] : vector<16x16x128xi32> to vector<16x16xi32>
    %broadcast_in_dim3A_479 = vector.shape_cast %reduce_min3A_478 : vector<16x16xi32> to vector<16x16x1xi32>
    %reduce_min3A_480 = arith.constant dense<2147483647> : vector<16x1xi32>
    %reduce_min3A_481 = vector.multi_reduction <minsi>, %broadcast_in_dim3A_479, %reduce_min3A_480 [1] : vector<16x16x1xi32> to vector<16x1xi32>
    %broadcast_in_dim3A_482 = vector.shape_cast %reduce_min3A_481 : vector<16x1xi32> to vector<16x1x1xi32>
    %swap3A_483 = arith.constant 0 : index
    %swap3A_484 = arith.constant 0 : index
    %swap3A_485 = arith.constant 18 : index
    %swap3A_486 = vector.load %arg2[%swap3A_483, %swap3A_484, %swap3A_485] : memref<16x1x40xi32, #tpu.memory_space<vmem>>, vector<16x1x1xi32>
    tpu.vector_store %arg2[%swap3A_483, %swap3A_484, %swap3A_485], %broadcast_in_dim3A_482 {strides = array<i32>} : memref<16x1x40xi32, #tpu.memory_space<vmem>>, vector<16x1x1xi32>,
    %eq3A_487 = vector.broadcast %broadcast_in_dim3A_482 : vector<16x1x1xi32> to vector<16x16x128xi32>
    %eq3A_488 = arith.cmpi eq, %add3A, %eq3A_487 : vector<16x16x128xi32>
    %jit3A_489 = arith.constant -3.000000e+38 : f32
    %broadcast_in_dim3A_490 = vector.broadcast %jit3A_489 : f32 to vector<16x16x128xf32>
    %select_n3A_491 = arith.select %eq3A_488, %broadcast_in_dim3A_490, %select_n3A_465 : vector<16x16x128xi1>, vector<16x16x128xf32>
    %reduce_max3A_492 = arith.constant dense<0xFF800000> : vector<16x16xf32>
    %reduce_max3A_493 = vector.multi_reduction <maximumf>, %select_n3A_491, %reduce_max3A_492 [2] : vector<16x16x128xf32> to vector<16x16xf32>
    %broadcast_in_dim3A_494 = vector.shape_cast %reduce_max3A_493 : vector<16x16xf32> to vector<16x16x1xf32>
    %reduce_max3A_495 = arith.constant dense<0xFF800000> : vector<16x1xf32>
    %reduce_max3A_496 = vector.multi_reduction <maximumf>, %broadcast_in_dim3A_494, %reduce_max3A_495 [1] : vector<16x16x1xf32> to vector<16x1xf32>
    %broadcast_in_dim3A_497 = vector.shape_cast %reduce_max3A_496 : vector<16x1xf32> to vector<16x1x1xf32>
    %ge3A_498 = vector.broadcast %broadcast_in_dim3A_497 : vector<16x1x1xf32> to vector<16x16x128xf32>
    %ge3A_499 = arith.cmpf oge, %select_n3A_491, %ge3A_498 : vector<16x16x128xf32>
    %jit3A_500 = arith.constant 1073741824 : i32
    %broadcast_in_dim3A_501 = vector.broadcast %jit3A_500 : i32 to vector<16x16x128xi32>
    %select_n3A_502 = arith.select %ge3A_499, %add3A, %broadcast_in_dim3A_501 : vector<16x16x128xi1>, vector<16x16x128xi32>
    %reduce_min3A_503 = arith.constant dense<2147483647> : vector<16x16xi32>
    %reduce_min3A_504 = vector.multi_reduction <minsi>, %select_n3A_502, %reduce_min3A_503 [2] : vector<16x16x128xi32> to vector<16x16xi32>
    %broadcast_in_dim3A_505 = vector.shape_cast %reduce_min3A_504 : vector<16x16xi32> to vector<16x16x1xi32>
    %reduce_min3A_506 = arith.constant dense<2147483647> : vector<16x1xi32>
    %reduce_min3A_507 = vector.multi_reduction <minsi>, %broadcast_in_dim3A_505, %reduce_min3A_506 [1] : vector<16x16x1xi32> to vector<16x1xi32>
    %broadcast_in_dim3A_508 = vector.shape_cast %reduce_min3A_507 : vector<16x1xi32> to vector<16x1x1xi32>
    %swap3A_509 = arith.constant 0 : index
    %swap3A_510 = arith.constant 0 : index
    %swap3A_511 = arith.constant 19 : index
    %swap3A_512 = vector.load %arg2[%swap3A_509, %swap3A_510, %swap3A_511] : memref<16x1x40xi32, #tpu.memory_space<vmem>>, vector<16x1x1xi32>
    tpu.vector_store %arg2[%swap3A_509, %swap3A_510, %swap3A_511], %broadcast_in_dim3A_508 {strides = array<i32>} : memref<16x1x40xi32, #tpu.memory_space<vmem>>, vector<16x1x1xi32>,
    %eq3A_513 = vector.broadcast %broadcast_in_dim3A_508 : vector<16x1x1xi32> to vector<16x16x128xi32>
    %eq3A_514 = arith.cmpi eq, %add3A, %eq3A_513 : vector<16x16x128xi32>
    %jit3A_515 = arith.constant -3.000000e+38 : f32
    %broadcast_in_dim3A_516 = vector.broadcast %jit3A_515 : f32 to vector<16x16x128xf32>
    %select_n3A_517 = arith.select %eq3A_514, %broadcast_in_dim3A_516, %select_n3A_491 : vector<16x16x128xi1>, vector<16x16x128xf32>
    %reduce_max3A_518 = arith.constant dense<0xFF800000> : vector<16x16xf32>
    %reduce_max3A_519 = vector.multi_reduction <maximumf>, %select_n3A_517, %reduce_max3A_518 [2] : vector<16x16x128xf32> to vector<16x16xf32>
    %broadcast_in_dim3A_520 = vector.shape_cast %reduce_max3A_519 : vector<16x16xf32> to vector<16x16x1xf32>
    %reduce_max3A_521 = arith.constant dense<0xFF800000> : vector<16x1xf32>
    %reduce_max3A_522 = vector.multi_reduction <maximumf>, %broadcast_in_dim3A_520, %reduce_max3A_521 [1] : vector<16x16x1xf32> to vector<16x1xf32>
    %broadcast_in_dim3A_523 = vector.shape_cast %reduce_max3A_522 : vector<16x1xf32> to vector<16x1x1xf32>
    %ge3A_524 = vector.broadcast %broadcast_in_dim3A_523 : vector<16x1x1xf32> to vector<16x16x128xf32>
    %ge3A_525 = arith.cmpf oge, %select_n3A_517, %ge3A_524 : vector<16x16x128xf32>
    %jit3A_526 = arith.constant 1073741824 : i32
    %broadcast_in_dim3A_527 = vector.broadcast %jit3A_526 : i32 to vector<16x16x128xi32>
    %select_n3A_528 = arith.select %ge3A_525, %add3A, %broadcast_in_dim3A_527 : vector<16x16x128xi1>, vector<16x16x128xi32>
    %reduce_min3A_529 = arith.constant dense<2147483647> : vector<16x16xi32>
    %reduce_min3A_530 = vector.multi_reduction <minsi>, %select_n3A_528, %reduce_min3A_529 [2] : vector<16x16x128xi32> to vector<16x16xi32>
    %broadcast_in_dim3A_531 = vector.shape_cast %reduce_min3A_530 : vector<16x16xi32> to vector<16x16x1xi32>
    %reduce_min3A_532 = arith.constant dense<2147483647> : vector<16x1xi32>
    %reduce_min3A_533 = vector.multi_reduction <minsi>, %broadcast_in_dim3A_531, %reduce_min3A_532 [1] : vector<16x16x1xi32> to vector<16x1xi32>
    %broadcast_in_dim3A_534 = vector.shape_cast %reduce_min3A_533 : vector<16x1xi32> to vector<16x1x1xi32>
    %swap3A_535 = arith.constant 0 : index
    %swap3A_536 = arith.constant 0 : index
    %swap3A_537 = arith.constant 20 : index
    %swap3A_538 = vector.load %arg2[%swap3A_535, %swap3A_536, %swap3A_537] : memref<16x1x40xi32, #tpu.memory_space<vmem>>, vector<16x1x1xi32>
    tpu.vector_store %arg2[%swap3A_535, %swap3A_536, %swap3A_537], %broadcast_in_dim3A_534 {strides = array<i32>} : memref<16x1x40xi32, #tpu.memory_space<vmem>>, vector<16x1x1xi32>,
    %eq3A_539 = vector.broadcast %broadcast_in_dim3A_534 : vector<16x1x1xi32> to vector<16x16x128xi32>
    %eq3A_540 = arith.cmpi eq, %add3A, %eq3A_539 : vector<16x16x128xi32>
    %jit3A_541 = arith.constant -3.000000e+38 : f32
    %broadcast_in_dim3A_542 = vector.broadcast %jit3A_541 : f32 to vector<16x16x128xf32>
    %select_n3A_543 = arith.select %eq3A_540, %broadcast_in_dim3A_542, %select_n3A_517 : vector<16x16x128xi1>, vector<16x16x128xf32>
    %reduce_max3A_544 = arith.constant dense<0xFF800000> : vector<16x16xf32>
    %reduce_max3A_545 = vector.multi_reduction <maximumf>, %select_n3A_543, %reduce_max3A_544 [2] : vector<16x16x128xf32> to vector<16x16xf32>
    %broadcast_in_dim3A_546 = vector.shape_cast %reduce_max3A_545 : vector<16x16xf32> to vector<16x16x1xf32>
    %reduce_max3A_547 = arith.constant dense<0xFF800000> : vector<16x1xf32>
    %reduce_max3A_548 = vector.multi_reduction <maximumf>, %broadcast_in_dim3A_546, %reduce_max3A_547 [1] : vector<16x16x1xf32> to vector<16x1xf32>
    %broadcast_in_dim3A_549 = vector.shape_cast %reduce_max3A_548 : vector<16x1xf32> to vector<16x1x1xf32>
    %ge3A_550 = vector.broadcast %broadcast_in_dim3A_549 : vector<16x1x1xf32> to vector<16x16x128xf32>
    %ge3A_551 = arith.cmpf oge, %select_n3A_543, %ge3A_550 : vector<16x16x128xf32>
    %jit3A_552 = arith.constant 1073741824 : i32
    %broadcast_in_dim3A_553 = vector.broadcast %jit3A_552 : i32 to vector<16x16x128xi32>
    %select_n3A_554 = arith.select %ge3A_551, %add3A, %broadcast_in_dim3A_553 : vector<16x16x128xi1>, vector<16x16x128xi32>
    %reduce_min3A_555 = arith.constant dense<2147483647> : vector<16x16xi32>
    %reduce_min3A_556 = vector.multi_reduction <minsi>, %select_n3A_554, %reduce_min3A_555 [2] : vector<16x16x128xi32> to vector<16x16xi32>
    %broadcast_in_dim3A_557 = vector.shape_cast %reduce_min3A_556 : vector<16x16xi32> to vector<16x16x1xi32>
    %reduce_min3A_558 = arith.constant dense<2147483647> : vector<16x1xi32>
    %reduce_min3A_559 = vector.multi_reduction <minsi>, %broadcast_in_dim3A_557, %reduce_min3A_558 [1] : vector<16x16x1xi32> to vector<16x1xi32>
    %broadcast_in_dim3A_560 = vector.shape_cast %reduce_min3A_559 : vector<16x1xi32> to vector<16x1x1xi32>
    %swap3A_561 = arith.constant 0 : index
    %swap3A_562 = arith.constant 0 : index
    %swap3A_563 = arith.constant 21 : index
    %swap3A_564 = vector.load %arg2[%swap3A_561, %swap3A_562, %swap3A_563] : memref<16x1x40xi32, #tpu.memory_space<vmem>>, vector<16x1x1xi32>
    tpu.vector_store %arg2[%swap3A_561, %swap3A_562, %swap3A_563], %broadcast_in_dim3A_560 {strides = array<i32>} : memref<16x1x40xi32, #tpu.memory_space<vmem>>, vector<16x1x1xi32>,
    %eq3A_565 = vector.broadcast %broadcast_in_dim3A_560 : vector<16x1x1xi32> to vector<16x16x128xi32>
    %eq3A_566 = arith.cmpi eq, %add3A, %eq3A_565 : vector<16x16x128xi32>
    %jit3A_567 = arith.constant -3.000000e+38 : f32
    %broadcast_in_dim3A_568 = vector.broadcast %jit3A_567 : f32 to vector<16x16x128xf32>
    %select_n3A_569 = arith.select %eq3A_566, %broadcast_in_dim3A_568, %select_n3A_543 : vector<16x16x128xi1>, vector<16x16x128xf32>
    %reduce_max3A_570 = arith.constant dense<0xFF800000> : vector<16x16xf32>
    %reduce_max3A_571 = vector.multi_reduction <maximumf>, %select_n3A_569, %reduce_max3A_570 [2] : vector<16x16x128xf32> to vector<16x16xf32>
    %broadcast_in_dim3A_572 = vector.shape_cast %reduce_max3A_571 : vector<16x16xf32> to vector<16x16x1xf32>
    %reduce_max3A_573 = arith.constant dense<0xFF800000> : vector<16x1xf32>
    %reduce_max3A_574 = vector.multi_reduction <maximumf>, %broadcast_in_dim3A_572, %reduce_max3A_573 [1] : vector<16x16x1xf32> to vector<16x1xf32>
    %broadcast_in_dim3A_575 = vector.shape_cast %reduce_max3A_574 : vector<16x1xf32> to vector<16x1x1xf32>
    %ge3A_576 = vector.broadcast %broadcast_in_dim3A_575 : vector<16x1x1xf32> to vector<16x16x128xf32>
    %ge3A_577 = arith.cmpf oge, %select_n3A_569, %ge3A_576 : vector<16x16x128xf32>
    %jit3A_578 = arith.constant 1073741824 : i32
    %broadcast_in_dim3A_579 = vector.broadcast %jit3A_578 : i32 to vector<16x16x128xi32>
    %select_n3A_580 = arith.select %ge3A_577, %add3A, %broadcast_in_dim3A_579 : vector<16x16x128xi1>, vector<16x16x128xi32>
    %reduce_min3A_581 = arith.constant dense<2147483647> : vector<16x16xi32>
    %reduce_min3A_582 = vector.multi_reduction <minsi>, %select_n3A_580, %reduce_min3A_581 [2] : vector<16x16x128xi32> to vector<16x16xi32>
    %broadcast_in_dim3A_583 = vector.shape_cast %reduce_min3A_582 : vector<16x16xi32> to vector<16x16x1xi32>
    %reduce_min3A_584 = arith.constant dense<2147483647> : vector<16x1xi32>
    %reduce_min3A_585 = vector.multi_reduction <minsi>, %broadcast_in_dim3A_583, %reduce_min3A_584 [1] : vector<16x16x1xi32> to vector<16x1xi32>
    %broadcast_in_dim3A_586 = vector.shape_cast %reduce_min3A_585 : vector<16x1xi32> to vector<16x1x1xi32>
    %swap3A_587 = arith.constant 0 : index
    %swap3A_588 = arith.constant 0 : index
    %swap3A_589 = arith.constant 22 : index
    %swap3A_590 = vector.load %arg2[%swap3A_587, %swap3A_588, %swap3A_589] : memref<16x1x40xi32, #tpu.memory_space<vmem>>, vector<16x1x1xi32>
    tpu.vector_store %arg2[%swap3A_587, %swap3A_588, %swap3A_589], %broadcast_in_dim3A_586 {strides = array<i32>} : memref<16x1x40xi32, #tpu.memory_space<vmem>>, vector<16x1x1xi32>,
    %eq3A_591 = vector.broadcast %broadcast_in_dim3A_586 : vector<16x1x1xi32> to vector<16x16x128xi32>
    %eq3A_592 = arith.cmpi eq, %add3A, %eq3A_591 : vector<16x16x128xi32>
    %jit3A_593 = arith.constant -3.000000e+38 : f32
    %broadcast_in_dim3A_594 = vector.broadcast %jit3A_593 : f32 to vector<16x16x128xf32>
    %select_n3A_595 = arith.select %eq3A_592, %broadcast_in_dim3A_594, %select_n3A_569 : vector<16x16x128xi1>, vector<16x16x128xf32>
    %reduce_max3A_596 = arith.constant dense<0xFF800000> : vector<16x16xf32>
    %reduce_max3A_597 = vector.multi_reduction <maximumf>, %select_n3A_595, %reduce_max3A_596 [2] : vector<16x16x128xf32> to vector<16x16xf32>
    %broadcast_in_dim3A_598 = vector.shape_cast %reduce_max3A_597 : vector<16x16xf32> to vector<16x16x1xf32>
    %reduce_max3A_599 = arith.constant dense<0xFF800000> : vector<16x1xf32>
    %reduce_max3A_600 = vector.multi_reduction <maximumf>, %broadcast_in_dim3A_598, %reduce_max3A_599 [1] : vector<16x16x1xf32> to vector<16x1xf32>
    %broadcast_in_dim3A_601 = vector.shape_cast %reduce_max3A_600 : vector<16x1xf32> to vector<16x1x1xf32>
    %ge3A_602 = vector.broadcast %broadcast_in_dim3A_601 : vector<16x1x1xf32> to vector<16x16x128xf32>
    %ge3A_603 = arith.cmpf oge, %select_n3A_595, %ge3A_602 : vector<16x16x128xf32>
    %jit3A_604 = arith.constant 1073741824 : i32
    %broadcast_in_dim3A_605 = vector.broadcast %jit3A_604 : i32 to vector<16x16x128xi32>
    %select_n3A_606 = arith.select %ge3A_603, %add3A, %broadcast_in_dim3A_605 : vector<16x16x128xi1>, vector<16x16x128xi32>
    %reduce_min3A_607 = arith.constant dense<2147483647> : vector<16x16xi32>
    %reduce_min3A_608 = vector.multi_reduction <minsi>, %select_n3A_606, %reduce_min3A_607 [2] : vector<16x16x128xi32> to vector<16x16xi32>
    %broadcast_in_dim3A_609 = vector.shape_cast %reduce_min3A_608 : vector<16x16xi32> to vector<16x16x1xi32>
    %reduce_min3A_610 = arith.constant dense<2147483647> : vector<16x1xi32>
    %reduce_min3A_611 = vector.multi_reduction <minsi>, %broadcast_in_dim3A_609, %reduce_min3A_610 [1] : vector<16x16x1xi32> to vector<16x1xi32>
    %broadcast_in_dim3A_612 = vector.shape_cast %reduce_min3A_611 : vector<16x1xi32> to vector<16x1x1xi32>
    %swap3A_613 = arith.constant 0 : index
    %swap3A_614 = arith.constant 0 : index
    %swap3A_615 = arith.constant 23 : index
    %swap3A_616 = vector.load %arg2[%swap3A_613, %swap3A_614, %swap3A_615] : memref<16x1x40xi32, #tpu.memory_space<vmem>>, vector<16x1x1xi32>
    tpu.vector_store %arg2[%swap3A_613, %swap3A_614, %swap3A_615], %broadcast_in_dim3A_612 {strides = array<i32>} : memref<16x1x40xi32, #tpu.memory_space<vmem>>, vector<16x1x1xi32>,
    %eq3A_617 = vector.broadcast %broadcast_in_dim3A_612 : vector<16x1x1xi32> to vector<16x16x128xi32>
    %eq3A_618 = arith.cmpi eq, %add3A, %eq3A_617 : vector<16x16x128xi32>
    %jit3A_619 = arith.constant -3.000000e+38 : f32
    %broadcast_in_dim3A_620 = vector.broadcast %jit3A_619 : f32 to vector<16x16x128xf32>
    %select_n3A_621 = arith.select %eq3A_618, %broadcast_in_dim3A_620, %select_n3A_595 : vector<16x16x128xi1>, vector<16x16x128xf32>
    %reduce_max3A_622 = arith.constant dense<0xFF800000> : vector<16x16xf32>
    %reduce_max3A_623 = vector.multi_reduction <maximumf>, %select_n3A_621, %reduce_max3A_622 [2] : vector<16x16x128xf32> to vector<16x16xf32>
    %broadcast_in_dim3A_624 = vector.shape_cast %reduce_max3A_623 : vector<16x16xf32> to vector<16x16x1xf32>
    %reduce_max3A_625 = arith.constant dense<0xFF800000> : vector<16x1xf32>
    %reduce_max3A_626 = vector.multi_reduction <maximumf>, %broadcast_in_dim3A_624, %reduce_max3A_625 [1] : vector<16x16x1xf32> to vector<16x1xf32>
    %broadcast_in_dim3A_627 = vector.shape_cast %reduce_max3A_626 : vector<16x1xf32> to vector<16x1x1xf32>
    %ge3A_628 = vector.broadcast %broadcast_in_dim3A_627 : vector<16x1x1xf32> to vector<16x16x128xf32>
    %ge3A_629 = arith.cmpf oge, %select_n3A_621, %ge3A_628 : vector<16x16x128xf32>
    %jit3A_630 = arith.constant 1073741824 : i32
    %broadcast_in_dim3A_631 = vector.broadcast %jit3A_630 : i32 to vector<16x16x128xi32>
    %select_n3A_632 = arith.select %ge3A_629, %add3A, %broadcast_in_dim3A_631 : vector<16x16x128xi1>, vector<16x16x128xi32>
    %reduce_min3A_633 = arith.constant dense<2147483647> : vector<16x16xi32>
    %reduce_min3A_634 = vector.multi_reduction <minsi>, %select_n3A_632, %reduce_min3A_633 [2] : vector<16x16x128xi32> to vector<16x16xi32>
    %broadcast_in_dim3A_635 = vector.shape_cast %reduce_min3A_634 : vector<16x16xi32> to vector<16x16x1xi32>
    %reduce_min3A_636 = arith.constant dense<2147483647> : vector<16x1xi32>
    %reduce_min3A_637 = vector.multi_reduction <minsi>, %broadcast_in_dim3A_635, %reduce_min3A_636 [1] : vector<16x16x1xi32> to vector<16x1xi32>
    %broadcast_in_dim3A_638 = vector.shape_cast %reduce_min3A_637 : vector<16x1xi32> to vector<16x1x1xi32>
    %swap3A_639 = arith.constant 0 : index
    %swap3A_640 = arith.constant 0 : index
    %swap3A_641 = arith.constant 24 : index
    %swap3A_642 = vector.load %arg2[%swap3A_639, %swap3A_640, %swap3A_641] : memref<16x1x40xi32, #tpu.memory_space<vmem>>, vector<16x1x1xi32>
    tpu.vector_store %arg2[%swap3A_639, %swap3A_640, %swap3A_641], %broadcast_in_dim3A_638 {strides = array<i32>} : memref<16x1x40xi32, #tpu.memory_space<vmem>>, vector<16x1x1xi32>,
    %eq3A_643 = vector.broadcast %broadcast_in_dim3A_638 : vector<16x1x1xi32> to vector<16x16x128xi32>
    %eq3A_644 = arith.cmpi eq, %add3A, %eq3A_643 : vector<16x16x128xi32>
    %jit3A_645 = arith.constant -3.000000e+38 : f32
    %broadcast_in_dim3A_646 = vector.broadcast %jit3A_645 : f32 to vector<16x16x128xf32>
    %select_n3A_647 = arith.select %eq3A_644, %broadcast_in_dim3A_646, %select_n3A_621 : vector<16x16x128xi1>, vector<16x16x128xf32>
    %reduce_max3A_648 = arith.constant dense<0xFF800000> : vector<16x16xf32>
    %reduce_max3A_649 = vector.multi_reduction <maximumf>, %select_n3A_647, %reduce_max3A_648 [2] : vector<16x16x128xf32> to vector<16x16xf32>
    %broadcast_in_dim3A_650 = vector.shape_cast %reduce_max3A_649 : vector<16x16xf32> to vector<16x16x1xf32>
    %reduce_max3A_651 = arith.constant dense<0xFF800000> : vector<16x1xf32>
    %reduce_max3A_652 = vector.multi_reduction <maximumf>, %broadcast_in_dim3A_650, %reduce_max3A_651 [1] : vector<16x16x1xf32> to vector<16x1xf32>
    %broadcast_in_dim3A_653 = vector.shape_cast %reduce_max3A_652 : vector<16x1xf32> to vector<16x1x1xf32>
    %ge3A_654 = vector.broadcast %broadcast_in_dim3A_653 : vector<16x1x1xf32> to vector<16x16x128xf32>
    %ge3A_655 = arith.cmpf oge, %select_n3A_647, %ge3A_654 : vector<16x16x128xf32>
    %jit3A_656 = arith.constant 1073741824 : i32
    %broadcast_in_dim3A_657 = vector.broadcast %jit3A_656 : i32 to vector<16x16x128xi32>
    %select_n3A_658 = arith.select %ge3A_655, %add3A, %broadcast_in_dim3A_657 : vector<16x16x128xi1>, vector<16x16x128xi32>
    %reduce_min3A_659 = arith.constant dense<2147483647> : vector<16x16xi32>
    %reduce_min3A_660 = vector.multi_reduction <minsi>, %select_n3A_658, %reduce_min3A_659 [2] : vector<16x16x128xi32> to vector<16x16xi32>
    %broadcast_in_dim3A_661 = vector.shape_cast %reduce_min3A_660 : vector<16x16xi32> to vector<16x16x1xi32>
    %reduce_min3A_662 = arith.constant dense<2147483647> : vector<16x1xi32>
    %reduce_min3A_663 = vector.multi_reduction <minsi>, %broadcast_in_dim3A_661, %reduce_min3A_662 [1] : vector<16x16x1xi32> to vector<16x1xi32>
    %broadcast_in_dim3A_664 = vector.shape_cast %reduce_min3A_663 : vector<16x1xi32> to vector<16x1x1xi32>
    %swap3A_665 = arith.constant 0 : index
    %swap3A_666 = arith.constant 0 : index
    %swap3A_667 = arith.constant 25 : index
    %swap3A_668 = vector.load %arg2[%swap3A_665, %swap3A_666, %swap3A_667] : memref<16x1x40xi32, #tpu.memory_space<vmem>>, vector<16x1x1xi32>
    tpu.vector_store %arg2[%swap3A_665, %swap3A_666, %swap3A_667], %broadcast_in_dim3A_664 {strides = array<i32>} : memref<16x1x40xi32, #tpu.memory_space<vmem>>, vector<16x1x1xi32>,
    %eq3A_669 = vector.broadcast %broadcast_in_dim3A_664 : vector<16x1x1xi32> to vector<16x16x128xi32>
    %eq3A_670 = arith.cmpi eq, %add3A, %eq3A_669 : vector<16x16x128xi32>
    %jit3A_671 = arith.constant -3.000000e+38 : f32
    %broadcast_in_dim3A_672 = vector.broadcast %jit3A_671 : f32 to vector<16x16x128xf32>
    %select_n3A_673 = arith.select %eq3A_670, %broadcast_in_dim3A_672, %select_n3A_647 : vector<16x16x128xi1>, vector<16x16x128xf32>
    %reduce_max3A_674 = arith.constant dense<0xFF800000> : vector<16x16xf32>
    %reduce_max3A_675 = vector.multi_reduction <maximumf>, %select_n3A_673, %reduce_max3A_674 [2] : vector<16x16x128xf32> to vector<16x16xf32>
    %broadcast_in_dim3A_676 = vector.shape_cast %reduce_max3A_675 : vector<16x16xf32> to vector<16x16x1xf32>
    %reduce_max3A_677 = arith.constant dense<0xFF800000> : vector<16x1xf32>
    %reduce_max3A_678 = vector.multi_reduction <maximumf>, %broadcast_in_dim3A_676, %reduce_max3A_677 [1] : vector<16x16x1xf32> to vector<16x1xf32>
    %broadcast_in_dim3A_679 = vector.shape_cast %reduce_max3A_678 : vector<16x1xf32> to vector<16x1x1xf32>
    %ge3A_680 = vector.broadcast %broadcast_in_dim3A_679 : vector<16x1x1xf32> to vector<16x16x128xf32>
    %ge3A_681 = arith.cmpf oge, %select_n3A_673, %ge3A_680 : vector<16x16x128xf32>
    %jit3A_682 = arith.constant 1073741824 : i32
    %broadcast_in_dim3A_683 = vector.broadcast %jit3A_682 : i32 to vector<16x16x128xi32>
    %select_n3A_684 = arith.select %ge3A_681, %add3A, %broadcast_in_dim3A_683 : vector<16x16x128xi1>, vector<16x16x128xi32>
    %reduce_min3A_685 = arith.constant dense<2147483647> : vector<16x16xi32>
    %reduce_min3A_686 = vector.multi_reduction <minsi>, %select_n3A_684, %reduce_min3A_685 [2] : vector<16x16x128xi32> to vector<16x16xi32>
    %broadcast_in_dim3A_687 = vector.shape_cast %reduce_min3A_686 : vector<16x16xi32> to vector<16x16x1xi32>
    %reduce_min3A_688 = arith.constant dense<2147483647> : vector<16x1xi32>
    %reduce_min3A_689 = vector.multi_reduction <minsi>, %broadcast_in_dim3A_687, %reduce_min3A_688 [1] : vector<16x16x1xi32> to vector<16x1xi32>
    %broadcast_in_dim3A_690 = vector.shape_cast %reduce_min3A_689 : vector<16x1xi32> to vector<16x1x1xi32>
    %swap3A_691 = arith.constant 0 : index
    %swap3A_692 = arith.constant 0 : index
    %swap3A_693 = arith.constant 26 : index
    %swap3A_694 = vector.load %arg2[%swap3A_691, %swap3A_692, %swap3A_693] : memref<16x1x40xi32, #tpu.memory_space<vmem>>, vector<16x1x1xi32>
    tpu.vector_store %arg2[%swap3A_691, %swap3A_692, %swap3A_693], %broadcast_in_dim3A_690 {strides = array<i32>} : memref<16x1x40xi32, #tpu.memory_space<vmem>>, vector<16x1x1xi32>,
    %eq3A_695 = vector.broadcast %broadcast_in_dim3A_690 : vector<16x1x1xi32> to vector<16x16x128xi32>
    %eq3A_696 = arith.cmpi eq, %add3A, %eq3A_695 : vector<16x16x128xi32>
    %jit3A_697 = arith.constant -3.000000e+38 : f32
    %broadcast_in_dim3A_698 = vector.broadcast %jit3A_697 : f32 to vector<16x16x128xf32>
    %select_n3A_699 = arith.select %eq3A_696, %broadcast_in_dim3A_698, %select_n3A_673 : vector<16x16x128xi1>, vector<16x16x128xf32>
    %reduce_max3A_700 = arith.constant dense<0xFF800000> : vector<16x16xf32>
    %reduce_max3A_701 = vector.multi_reduction <maximumf>, %select_n3A_699, %reduce_max3A_700 [2] : vector<16x16x128xf32> to vector<16x16xf32>
    %broadcast_in_dim3A_702 = vector.shape_cast %reduce_max3A_701 : vector<16x16xf32> to vector<16x16x1xf32>
    %reduce_max3A_703 = arith.constant dense<0xFF800000> : vector<16x1xf32>
    %reduce_max3A_704 = vector.multi_reduction <maximumf>, %broadcast_in_dim3A_702, %reduce_max3A_703 [1] : vector<16x16x1xf32> to vector<16x1xf32>
    %broadcast_in_dim3A_705 = vector.shape_cast %reduce_max3A_704 : vector<16x1xf32> to vector<16x1x1xf32>
    %ge3A_706 = vector.broadcast %broadcast_in_dim3A_705 : vector<16x1x1xf32> to vector<16x16x128xf32>
    %ge3A_707 = arith.cmpf oge, %select_n3A_699, %ge3A_706 : vector<16x16x128xf32>
    %jit3A_708 = arith.constant 1073741824 : i32
    %broadcast_in_dim3A_709 = vector.broadcast %jit3A_708 : i32 to vector<16x16x128xi32>
    %select_n3A_710 = arith.select %ge3A_707, %add3A, %broadcast_in_dim3A_709 : vector<16x16x128xi1>, vector<16x16x128xi32>
    %reduce_min3A_711 = arith.constant dense<2147483647> : vector<16x16xi32>
    %reduce_min3A_712 = vector.multi_reduction <minsi>, %select_n3A_710, %reduce_min3A_711 [2] : vector<16x16x128xi32> to vector<16x16xi32>
    %broadcast_in_dim3A_713 = vector.shape_cast %reduce_min3A_712 : vector<16x16xi32> to vector<16x16x1xi32>
    %reduce_min3A_714 = arith.constant dense<2147483647> : vector<16x1xi32>
    %reduce_min3A_715 = vector.multi_reduction <minsi>, %broadcast_in_dim3A_713, %reduce_min3A_714 [1] : vector<16x16x1xi32> to vector<16x1xi32>
    %broadcast_in_dim3A_716 = vector.shape_cast %reduce_min3A_715 : vector<16x1xi32> to vector<16x1x1xi32>
    %swap3A_717 = arith.constant 0 : index
    %swap3A_718 = arith.constant 0 : index
    %swap3A_719 = arith.constant 27 : index
    %swap3A_720 = vector.load %arg2[%swap3A_717, %swap3A_718, %swap3A_719] : memref<16x1x40xi32, #tpu.memory_space<vmem>>, vector<16x1x1xi32>
    tpu.vector_store %arg2[%swap3A_717, %swap3A_718, %swap3A_719], %broadcast_in_dim3A_716 {strides = array<i32>} : memref<16x1x40xi32, #tpu.memory_space<vmem>>, vector<16x1x1xi32>,
    %eq3A_721 = vector.broadcast %broadcast_in_dim3A_716 : vector<16x1x1xi32> to vector<16x16x128xi32>
    %eq3A_722 = arith.cmpi eq, %add3A, %eq3A_721 : vector<16x16x128xi32>
    %jit3A_723 = arith.constant -3.000000e+38 : f32
    %broadcast_in_dim3A_724 = vector.broadcast %jit3A_723 : f32 to vector<16x16x128xf32>
    %select_n3A_725 = arith.select %eq3A_722, %broadcast_in_dim3A_724, %select_n3A_699 : vector<16x16x128xi1>, vector<16x16x128xf32>
    %reduce_max3A_726 = arith.constant dense<0xFF800000> : vector<16x16xf32>
    %reduce_max3A_727 = vector.multi_reduction <maximumf>, %select_n3A_725, %reduce_max3A_726 [2] : vector<16x16x128xf32> to vector<16x16xf32>
    %broadcast_in_dim3A_728 = vector.shape_cast %reduce_max3A_727 : vector<16x16xf32> to vector<16x16x1xf32>
    %reduce_max3A_729 = arith.constant dense<0xFF800000> : vector<16x1xf32>
    %reduce_max3A_730 = vector.multi_reduction <maximumf>, %broadcast_in_dim3A_728, %reduce_max3A_729 [1] : vector<16x16x1xf32> to vector<16x1xf32>
    %broadcast_in_dim3A_731 = vector.shape_cast %reduce_max3A_730 : vector<16x1xf32> to vector<16x1x1xf32>
    %ge3A_732 = vector.broadcast %broadcast_in_dim3A_731 : vector<16x1x1xf32> to vector<16x16x128xf32>
    %ge3A_733 = arith.cmpf oge, %select_n3A_725, %ge3A_732 : vector<16x16x128xf32>
    %jit3A_734 = arith.constant 1073741824 : i32
    %broadcast_in_dim3A_735 = vector.broadcast %jit3A_734 : i32 to vector<16x16x128xi32>
    %select_n3A_736 = arith.select %ge3A_733, %add3A, %broadcast_in_dim3A_735 : vector<16x16x128xi1>, vector<16x16x128xi32>
    %reduce_min3A_737 = arith.constant dense<2147483647> : vector<16x16xi32>
    %reduce_min3A_738 = vector.multi_reduction <minsi>, %select_n3A_736, %reduce_min3A_737 [2] : vector<16x16x128xi32> to vector<16x16xi32>
    %broadcast_in_dim3A_739 = vector.shape_cast %reduce_min3A_738 : vector<16x16xi32> to vector<16x16x1xi32>
    %reduce_min3A_740 = arith.constant dense<2147483647> : vector<16x1xi32>
    %reduce_min3A_741 = vector.multi_reduction <minsi>, %broadcast_in_dim3A_739, %reduce_min3A_740 [1] : vector<16x16x1xi32> to vector<16x1xi32>
    %broadcast_in_dim3A_742 = vector.shape_cast %reduce_min3A_741 : vector<16x1xi32> to vector<16x1x1xi32>
    %swap3A_743 = arith.constant 0 : index
    %swap3A_744 = arith.constant 0 : index
    %swap3A_745 = arith.constant 28 : index
    %swap3A_746 = vector.load %arg2[%swap3A_743, %swap3A_744, %swap3A_745] : memref<16x1x40xi32, #tpu.memory_space<vmem>>, vector<16x1x1xi32>
    tpu.vector_store %arg2[%swap3A_743, %swap3A_744, %swap3A_745], %broadcast_in_dim3A_742 {strides = array<i32>} : memref<16x1x40xi32, #tpu.memory_space<vmem>>, vector<16x1x1xi32>,
    %eq3A_747 = vector.broadcast %broadcast_in_dim3A_742 : vector<16x1x1xi32> to vector<16x16x128xi32>
    %eq3A_748 = arith.cmpi eq, %add3A, %eq3A_747 : vector<16x16x128xi32>
    %jit3A_749 = arith.constant -3.000000e+38 : f32
    %broadcast_in_dim3A_750 = vector.broadcast %jit3A_749 : f32 to vector<16x16x128xf32>
    %select_n3A_751 = arith.select %eq3A_748, %broadcast_in_dim3A_750, %select_n3A_725 : vector<16x16x128xi1>, vector<16x16x128xf32>
    %reduce_max3A_752 = arith.constant dense<0xFF800000> : vector<16x16xf32>
    %reduce_max3A_753 = vector.multi_reduction <maximumf>, %select_n3A_751, %reduce_max3A_752 [2] : vector<16x16x128xf32> to vector<16x16xf32>
    %broadcast_in_dim3A_754 = vector.shape_cast %reduce_max3A_753 : vector<16x16xf32> to vector<16x16x1xf32>
    %reduce_max3A_755 = arith.constant dense<0xFF800000> : vector<16x1xf32>
    %reduce_max3A_756 = vector.multi_reduction <maximumf>, %broadcast_in_dim3A_754, %reduce_max3A_755 [1] : vector<16x16x1xf32> to vector<16x1xf32>
    %broadcast_in_dim3A_757 = vector.shape_cast %reduce_max3A_756 : vector<16x1xf32> to vector<16x1x1xf32>
    %ge3A_758 = vector.broadcast %broadcast_in_dim3A_757 : vector<16x1x1xf32> to vector<16x16x128xf32>
    %ge3A_759 = arith.cmpf oge, %select_n3A_751, %ge3A_758 : vector<16x16x128xf32>
    %jit3A_760 = arith.constant 1073741824 : i32
    %broadcast_in_dim3A_761 = vector.broadcast %jit3A_760 : i32 to vector<16x16x128xi32>
    %select_n3A_762 = arith.select %ge3A_759, %add3A, %broadcast_in_dim3A_761 : vector<16x16x128xi1>, vector<16x16x128xi32>
    %reduce_min3A_763 = arith.constant dense<2147483647> : vector<16x16xi32>
    %reduce_min3A_764 = vector.multi_reduction <minsi>, %select_n3A_762, %reduce_min3A_763 [2] : vector<16x16x128xi32> to vector<16x16xi32>
    %broadcast_in_dim3A_765 = vector.shape_cast %reduce_min3A_764 : vector<16x16xi32> to vector<16x16x1xi32>
    %reduce_min3A_766 = arith.constant dense<2147483647> : vector<16x1xi32>
    %reduce_min3A_767 = vector.multi_reduction <minsi>, %broadcast_in_dim3A_765, %reduce_min3A_766 [1] : vector<16x16x1xi32> to vector<16x1xi32>
    %broadcast_in_dim3A_768 = vector.shape_cast %reduce_min3A_767 : vector<16x1xi32> to vector<16x1x1xi32>
    %swap3A_769 = arith.constant 0 : index
    %swap3A_770 = arith.constant 0 : index
    %swap3A_771 = arith.constant 29 : index
    %swap3A_772 = vector.load %arg2[%swap3A_769, %swap3A_770, %swap3A_771] : memref<16x1x40xi32, #tpu.memory_space<vmem>>, vector<16x1x1xi32>
    tpu.vector_store %arg2[%swap3A_769, %swap3A_770, %swap3A_771], %broadcast_in_dim3A_768 {strides = array<i32>} : memref<16x1x40xi32, #tpu.memory_space<vmem>>, vector<16x1x1xi32>,
    %eq3A_773 = vector.broadcast %broadcast_in_dim3A_768 : vector<16x1x1xi32> to vector<16x16x128xi32>
    %eq3A_774 = arith.cmpi eq, %add3A, %eq3A_773 : vector<16x16x128xi32>
    %jit3A_775 = arith.constant -3.000000e+38 : f32
    %broadcast_in_dim3A_776 = vector.broadcast %jit3A_775 : f32 to vector<16x16x128xf32>
    %select_n3A_777 = arith.select %eq3A_774, %broadcast_in_dim3A_776, %select_n3A_751 : vector<16x16x128xi1>, vector<16x16x128xf32>
    %reduce_max3A_778 = arith.constant dense<0xFF800000> : vector<16x16xf32>
    %reduce_max3A_779 = vector.multi_reduction <maximumf>, %select_n3A_777, %reduce_max3A_778 [2] : vector<16x16x128xf32> to vector<16x16xf32>
    %broadcast_in_dim3A_780 = vector.shape_cast %reduce_max3A_779 : vector<16x16xf32> to vector<16x16x1xf32>
    %reduce_max3A_781 = arith.constant dense<0xFF800000> : vector<16x1xf32>
    %reduce_max3A_782 = vector.multi_reduction <maximumf>, %broadcast_in_dim3A_780, %reduce_max3A_781 [1] : vector<16x16x1xf32> to vector<16x1xf32>
    %broadcast_in_dim3A_783 = vector.shape_cast %reduce_max3A_782 : vector<16x1xf32> to vector<16x1x1xf32>
    %ge3A_784 = vector.broadcast %broadcast_in_dim3A_783 : vector<16x1x1xf32> to vector<16x16x128xf32>
    %ge3A_785 = arith.cmpf oge, %select_n3A_777, %ge3A_784 : vector<16x16x128xf32>
    %jit3A_786 = arith.constant 1073741824 : i32
    %broadcast_in_dim3A_787 = vector.broadcast %jit3A_786 : i32 to vector<16x16x128xi32>
    %select_n3A_788 = arith.select %ge3A_785, %add3A, %broadcast_in_dim3A_787 : vector<16x16x128xi1>, vector<16x16x128xi32>
    %reduce_min3A_789 = arith.constant dense<2147483647> : vector<16x16xi32>
    %reduce_min3A_790 = vector.multi_reduction <minsi>, %select_n3A_788, %reduce_min3A_789 [2] : vector<16x16x128xi32> to vector<16x16xi32>
    %broadcast_in_dim3A_791 = vector.shape_cast %reduce_min3A_790 : vector<16x16xi32> to vector<16x16x1xi32>
    %reduce_min3A_792 = arith.constant dense<2147483647> : vector<16x1xi32>
    %reduce_min3A_793 = vector.multi_reduction <minsi>, %broadcast_in_dim3A_791, %reduce_min3A_792 [1] : vector<16x16x1xi32> to vector<16x1xi32>
    %broadcast_in_dim3A_794 = vector.shape_cast %reduce_min3A_793 : vector<16x1xi32> to vector<16x1x1xi32>
    %swap3A_795 = arith.constant 0 : index
    %swap3A_796 = arith.constant 0 : index
    %swap3A_797 = arith.constant 30 : index
    %swap3A_798 = vector.load %arg2[%swap3A_795, %swap3A_796, %swap3A_797] : memref<16x1x40xi32, #tpu.memory_space<vmem>>, vector<16x1x1xi32>
    tpu.vector_store %arg2[%swap3A_795, %swap3A_796, %swap3A_797], %broadcast_in_dim3A_794 {strides = array<i32>} : memref<16x1x40xi32, #tpu.memory_space<vmem>>, vector<16x1x1xi32>,
    %eq3A_799 = vector.broadcast %broadcast_in_dim3A_794 : vector<16x1x1xi32> to vector<16x16x128xi32>
    %eq3A_800 = arith.cmpi eq, %add3A, %eq3A_799 : vector<16x16x128xi32>
    %jit3A_801 = arith.constant -3.000000e+38 : f32
    %broadcast_in_dim3A_802 = vector.broadcast %jit3A_801 : f32 to vector<16x16x128xf32>
    %select_n3A_803 = arith.select %eq3A_800, %broadcast_in_dim3A_802, %select_n3A_777 : vector<16x16x128xi1>, vector<16x16x128xf32>
    %reduce_max3A_804 = arith.constant dense<0xFF800000> : vector<16x16xf32>
    %reduce_max3A_805 = vector.multi_reduction <maximumf>, %select_n3A_803, %reduce_max3A_804 [2] : vector<16x16x128xf32> to vector<16x16xf32>
    %broadcast_in_dim3A_806 = vector.shape_cast %reduce_max3A_805 : vector<16x16xf32> to vector<16x16x1xf32>
    %reduce_max3A_807 = arith.constant dense<0xFF800000> : vector<16x1xf32>
    %reduce_max3A_808 = vector.multi_reduction <maximumf>, %broadcast_in_dim3A_806, %reduce_max3A_807 [1] : vector<16x16x1xf32> to vector<16x1xf32>
    %broadcast_in_dim3A_809 = vector.shape_cast %reduce_max3A_808 : vector<16x1xf32> to vector<16x1x1xf32>
    %ge3A_810 = vector.broadcast %broadcast_in_dim3A_809 : vector<16x1x1xf32> to vector<16x16x128xf32>
    %ge3A_811 = arith.cmpf oge, %select_n3A_803, %ge3A_810 : vector<16x16x128xf32>
    %jit3A_812 = arith.constant 1073741824 : i32
    %broadcast_in_dim3A_813 = vector.broadcast %jit3A_812 : i32 to vector<16x16x128xi32>
    %select_n3A_814 = arith.select %ge3A_811, %add3A, %broadcast_in_dim3A_813 : vector<16x16x128xi1>, vector<16x16x128xi32>
    %reduce_min3A_815 = arith.constant dense<2147483647> : vector<16x16xi32>
    %reduce_min3A_816 = vector.multi_reduction <minsi>, %select_n3A_814, %reduce_min3A_815 [2] : vector<16x16x128xi32> to vector<16x16xi32>
    %broadcast_in_dim3A_817 = vector.shape_cast %reduce_min3A_816 : vector<16x16xi32> to vector<16x16x1xi32>
    %reduce_min3A_818 = arith.constant dense<2147483647> : vector<16x1xi32>
    %reduce_min3A_819 = vector.multi_reduction <minsi>, %broadcast_in_dim3A_817, %reduce_min3A_818 [1] : vector<16x16x1xi32> to vector<16x1xi32>
    %broadcast_in_dim3A_820 = vector.shape_cast %reduce_min3A_819 : vector<16x1xi32> to vector<16x1x1xi32>
    %swap3A_821 = arith.constant 0 : index
    %swap3A_822 = arith.constant 0 : index
    %swap3A_823 = arith.constant 31 : index
    %swap3A_824 = vector.load %arg2[%swap3A_821, %swap3A_822, %swap3A_823] : memref<16x1x40xi32, #tpu.memory_space<vmem>>, vector<16x1x1xi32>
    tpu.vector_store %arg2[%swap3A_821, %swap3A_822, %swap3A_823], %broadcast_in_dim3A_820 {strides = array<i32>} : memref<16x1x40xi32, #tpu.memory_space<vmem>>, vector<16x1x1xi32>,
    %eq3A_825 = vector.broadcast %broadcast_in_dim3A_820 : vector<16x1x1xi32> to vector<16x16x128xi32>
    %eq3A_826 = arith.cmpi eq, %add3A, %eq3A_825 : vector<16x16x128xi32>
    %jit3A_827 = arith.constant -3.000000e+38 : f32
    %broadcast_in_dim3A_828 = vector.broadcast %jit3A_827 : f32 to vector<16x16x128xf32>
    %select_n3A_829 = arith.select %eq3A_826, %broadcast_in_dim3A_828, %select_n3A_803 : vector<16x16x128xi1>, vector<16x16x128xf32>
    %reduce_max3A_830 = arith.constant dense<0xFF800000> : vector<16x16xf32>
    %reduce_max3A_831 = vector.multi_reduction <maximumf>, %select_n3A_829, %reduce_max3A_830 [2] : vector<16x16x128xf32> to vector<16x16xf32>
    %broadcast_in_dim3A_832 = vector.shape_cast %reduce_max3A_831 : vector<16x16xf32> to vector<16x16x1xf32>
    %reduce_max3A_833 = arith.constant dense<0xFF800000> : vector<16x1xf32>
    %reduce_max3A_834 = vector.multi_reduction <maximumf>, %broadcast_in_dim3A_832, %reduce_max3A_833 [1] : vector<16x16x1xf32> to vector<16x1xf32>
    %broadcast_in_dim3A_835 = vector.shape_cast %reduce_max3A_834 : vector<16x1xf32> to vector<16x1x1xf32>
    %ge3A_836 = vector.broadcast %broadcast_in_dim3A_835 : vector<16x1x1xf32> to vector<16x16x128xf32>
    %ge3A_837 = arith.cmpf oge, %select_n3A_829, %ge3A_836 : vector<16x16x128xf32>
    %jit3A_838 = arith.constant 1073741824 : i32
    %broadcast_in_dim3A_839 = vector.broadcast %jit3A_838 : i32 to vector<16x16x128xi32>
    %select_n3A_840 = arith.select %ge3A_837, %add3A, %broadcast_in_dim3A_839 : vector<16x16x128xi1>, vector<16x16x128xi32>
    %reduce_min3A_841 = arith.constant dense<2147483647> : vector<16x16xi32>
    %reduce_min3A_842 = vector.multi_reduction <minsi>, %select_n3A_840, %reduce_min3A_841 [2] : vector<16x16x128xi32> to vector<16x16xi32>
    %broadcast_in_dim3A_843 = vector.shape_cast %reduce_min3A_842 : vector<16x16xi32> to vector<16x16x1xi32>
    %reduce_min3A_844 = arith.constant dense<2147483647> : vector<16x1xi32>
    %reduce_min3A_845 = vector.multi_reduction <minsi>, %broadcast_in_dim3A_843, %reduce_min3A_844 [1] : vector<16x16x1xi32> to vector<16x1xi32>
    %broadcast_in_dim3A_846 = vector.shape_cast %reduce_min3A_845 : vector<16x1xi32> to vector<16x1x1xi32>
    %swap3A_847 = arith.constant 0 : index
    %swap3A_848 = arith.constant 0 : index
    %swap3A_849 = arith.constant 32 : index
    %swap3A_850 = vector.load %arg2[%swap3A_847, %swap3A_848, %swap3A_849] : memref<16x1x40xi32, #tpu.memory_space<vmem>>, vector<16x1x1xi32>
    tpu.vector_store %arg2[%swap3A_847, %swap3A_848, %swap3A_849], %broadcast_in_dim3A_846 {strides = array<i32>} : memref<16x1x40xi32, #tpu.memory_space<vmem>>, vector<16x1x1xi32>,
    %eq3A_851 = vector.broadcast %broadcast_in_dim3A_846 : vector<16x1x1xi32> to vector<16x16x128xi32>
    %eq3A_852 = arith.cmpi eq, %add3A, %eq3A_851 : vector<16x16x128xi32>
    %jit3A_853 = arith.constant -3.000000e+38 : f32
    %broadcast_in_dim3A_854 = vector.broadcast %jit3A_853 : f32 to vector<16x16x128xf32>
    %select_n3A_855 = arith.select %eq3A_852, %broadcast_in_dim3A_854, %select_n3A_829 : vector<16x16x128xi1>, vector<16x16x128xf32>
    %reduce_max3A_856 = arith.constant dense<0xFF800000> : vector<16x16xf32>
    %reduce_max3A_857 = vector.multi_reduction <maximumf>, %select_n3A_855, %reduce_max3A_856 [2] : vector<16x16x128xf32> to vector<16x16xf32>
    %broadcast_in_dim3A_858 = vector.shape_cast %reduce_max3A_857 : vector<16x16xf32> to vector<16x16x1xf32>
    %reduce_max3A_859 = arith.constant dense<0xFF800000> : vector<16x1xf32>
    %reduce_max3A_860 = vector.multi_reduction <maximumf>, %broadcast_in_dim3A_858, %reduce_max3A_859 [1] : vector<16x16x1xf32> to vector<16x1xf32>
    %broadcast_in_dim3A_861 = vector.shape_cast %reduce_max3A_860 : vector<16x1xf32> to vector<16x1x1xf32>
    %ge3A_862 = vector.broadcast %broadcast_in_dim3A_861 : vector<16x1x1xf32> to vector<16x16x128xf32>
    %ge3A_863 = arith.cmpf oge, %select_n3A_855, %ge3A_862 : vector<16x16x128xf32>
    %jit3A_864 = arith.constant 1073741824 : i32
    %broadcast_in_dim3A_865 = vector.broadcast %jit3A_864 : i32 to vector<16x16x128xi32>
    %select_n3A_866 = arith.select %ge3A_863, %add3A, %broadcast_in_dim3A_865 : vector<16x16x128xi1>, vector<16x16x128xi32>
    %reduce_min3A_867 = arith.constant dense<2147483647> : vector<16x16xi32>
    %reduce_min3A_868 = vector.multi_reduction <minsi>, %select_n3A_866, %reduce_min3A_867 [2] : vector<16x16x128xi32> to vector<16x16xi32>
    %broadcast_in_dim3A_869 = vector.shape_cast %reduce_min3A_868 : vector<16x16xi32> to vector<16x16x1xi32>
    %reduce_min3A_870 = arith.constant dense<2147483647> : vector<16x1xi32>
    %reduce_min3A_871 = vector.multi_reduction <minsi>, %broadcast_in_dim3A_869, %reduce_min3A_870 [1] : vector<16x16x1xi32> to vector<16x1xi32>
    %broadcast_in_dim3A_872 = vector.shape_cast %reduce_min3A_871 : vector<16x1xi32> to vector<16x1x1xi32>
    %swap3A_873 = arith.constant 0 : index
    %swap3A_874 = arith.constant 0 : index
    %swap3A_875 = arith.constant 33 : index
    %swap3A_876 = vector.load %arg2[%swap3A_873, %swap3A_874, %swap3A_875] : memref<16x1x40xi32, #tpu.memory_space<vmem>>, vector<16x1x1xi32>
    tpu.vector_store %arg2[%swap3A_873, %swap3A_874, %swap3A_875], %broadcast_in_dim3A_872 {strides = array<i32>} : memref<16x1x40xi32, #tpu.memory_space<vmem>>, vector<16x1x1xi32>,
    %eq3A_877 = vector.broadcast %broadcast_in_dim3A_872 : vector<16x1x1xi32> to vector<16x16x128xi32>
    %eq3A_878 = arith.cmpi eq, %add3A, %eq3A_877 : vector<16x16x128xi32>
    %jit3A_879 = arith.constant -3.000000e+38 : f32
    %broadcast_in_dim3A_880 = vector.broadcast %jit3A_879 : f32 to vector<16x16x128xf32>
    %select_n3A_881 = arith.select %eq3A_878, %broadcast_in_dim3A_880, %select_n3A_855 : vector<16x16x128xi1>, vector<16x16x128xf32>
    %reduce_max3A_882 = arith.constant dense<0xFF800000> : vector<16x16xf32>
    %reduce_max3A_883 = vector.multi_reduction <maximumf>, %select_n3A_881, %reduce_max3A_882 [2] : vector<16x16x128xf32> to vector<16x16xf32>
    %broadcast_in_dim3A_884 = vector.shape_cast %reduce_max3A_883 : vector<16x16xf32> to vector<16x16x1xf32>
    %reduce_max3A_885 = arith.constant dense<0xFF800000> : vector<16x1xf32>
    %reduce_max3A_886 = vector.multi_reduction <maximumf>, %broadcast_in_dim3A_884, %reduce_max3A_885 [1] : vector<16x16x1xf32> to vector<16x1xf32>
    %broadcast_in_dim3A_887 = vector.shape_cast %reduce_max3A_886 : vector<16x1xf32> to vector<16x1x1xf32>
    %ge3A_888 = vector.broadcast %broadcast_in_dim3A_887 : vector<16x1x1xf32> to vector<16x16x128xf32>
    %ge3A_889 = arith.cmpf oge, %select_n3A_881, %ge3A_888 : vector<16x16x128xf32>
    %jit3A_890 = arith.constant 1073741824 : i32
    %broadcast_in_dim3A_891 = vector.broadcast %jit3A_890 : i32 to vector<16x16x128xi32>
    %select_n3A_892 = arith.select %ge3A_889, %add3A, %broadcast_in_dim3A_891 : vector<16x16x128xi1>, vector<16x16x128xi32>
    %reduce_min3A_893 = arith.constant dense<2147483647> : vector<16x16xi32>
    %reduce_min3A_894 = vector.multi_reduction <minsi>, %select_n3A_892, %reduce_min3A_893 [2] : vector<16x16x128xi32> to vector<16x16xi32>
    %broadcast_in_dim3A_895 = vector.shape_cast %reduce_min3A_894 : vector<16x16xi32> to vector<16x16x1xi32>
    %reduce_min3A_896 = arith.constant dense<2147483647> : vector<16x1xi32>
    %reduce_min3A_897 = vector.multi_reduction <minsi>, %broadcast_in_dim3A_895, %reduce_min3A_896 [1] : vector<16x16x1xi32> to vector<16x1xi32>
    %broadcast_in_dim3A_898 = vector.shape_cast %reduce_min3A_897 : vector<16x1xi32> to vector<16x1x1xi32>
    %swap3A_899 = arith.constant 0 : index
    %swap3A_900 = arith.constant 0 : index
    %swap3A_901 = arith.constant 34 : index
    %swap3A_902 = vector.load %arg2[%swap3A_899, %swap3A_900, %swap3A_901] : memref<16x1x40xi32, #tpu.memory_space<vmem>>, vector<16x1x1xi32>
    tpu.vector_store %arg2[%swap3A_899, %swap3A_900, %swap3A_901], %broadcast_in_dim3A_898 {strides = array<i32>} : memref<16x1x40xi32, #tpu.memory_space<vmem>>, vector<16x1x1xi32>,
    %eq3A_903 = vector.broadcast %broadcast_in_dim3A_898 : vector<16x1x1xi32> to vector<16x16x128xi32>
    %eq3A_904 = arith.cmpi eq, %add3A, %eq3A_903 : vector<16x16x128xi32>
    %jit3A_905 = arith.constant -3.000000e+38 : f32
    %broadcast_in_dim3A_906 = vector.broadcast %jit3A_905 : f32 to vector<16x16x128xf32>
    %select_n3A_907 = arith.select %eq3A_904, %broadcast_in_dim3A_906, %select_n3A_881 : vector<16x16x128xi1>, vector<16x16x128xf32>
    %reduce_max3A_908 = arith.constant dense<0xFF800000> : vector<16x16xf32>
    %reduce_max3A_909 = vector.multi_reduction <maximumf>, %select_n3A_907, %reduce_max3A_908 [2] : vector<16x16x128xf32> to vector<16x16xf32>
    %broadcast_in_dim3A_910 = vector.shape_cast %reduce_max3A_909 : vector<16x16xf32> to vector<16x16x1xf32>
    %reduce_max3A_911 = arith.constant dense<0xFF800000> : vector<16x1xf32>
    %reduce_max3A_912 = vector.multi_reduction <maximumf>, %broadcast_in_dim3A_910, %reduce_max3A_911 [1] : vector<16x16x1xf32> to vector<16x1xf32>
    %broadcast_in_dim3A_913 = vector.shape_cast %reduce_max3A_912 : vector<16x1xf32> to vector<16x1x1xf32>
    %ge3A_914 = vector.broadcast %broadcast_in_dim3A_913 : vector<16x1x1xf32> to vector<16x16x128xf32>
    %ge3A_915 = arith.cmpf oge, %select_n3A_907, %ge3A_914 : vector<16x16x128xf32>
    %jit3A_916 = arith.constant 1073741824 : i32
    %broadcast_in_dim3A_917 = vector.broadcast %jit3A_916 : i32 to vector<16x16x128xi32>
    %select_n3A_918 = arith.select %ge3A_915, %add3A, %broadcast_in_dim3A_917 : vector<16x16x128xi1>, vector<16x16x128xi32>
    %reduce_min3A_919 = arith.constant dense<2147483647> : vector<16x16xi32>
    %reduce_min3A_920 = vector.multi_reduction <minsi>, %select_n3A_918, %reduce_min3A_919 [2] : vector<16x16x128xi32> to vector<16x16xi32>
    %broadcast_in_dim3A_921 = vector.shape_cast %reduce_min3A_920 : vector<16x16xi32> to vector<16x16x1xi32>
    %reduce_min3A_922 = arith.constant dense<2147483647> : vector<16x1xi32>
    %reduce_min3A_923 = vector.multi_reduction <minsi>, %broadcast_in_dim3A_921, %reduce_min3A_922 [1] : vector<16x16x1xi32> to vector<16x1xi32>
    %broadcast_in_dim3A_924 = vector.shape_cast %reduce_min3A_923 : vector<16x1xi32> to vector<16x1x1xi32>
    %swap3A_925 = arith.constant 0 : index
    %swap3A_926 = arith.constant 0 : index
    %swap3A_927 = arith.constant 35 : index
    %swap3A_928 = vector.load %arg2[%swap3A_925, %swap3A_926, %swap3A_927] : memref<16x1x40xi32, #tpu.memory_space<vmem>>, vector<16x1x1xi32>
    tpu.vector_store %arg2[%swap3A_925, %swap3A_926, %swap3A_927], %broadcast_in_dim3A_924 {strides = array<i32>} : memref<16x1x40xi32, #tpu.memory_space<vmem>>, vector<16x1x1xi32>,
    %eq3A_929 = vector.broadcast %broadcast_in_dim3A_924 : vector<16x1x1xi32> to vector<16x16x128xi32>
    %eq3A_930 = arith.cmpi eq, %add3A, %eq3A_929 : vector<16x16x128xi32>
    %jit3A_931 = arith.constant -3.000000e+38 : f32
    %broadcast_in_dim3A_932 = vector.broadcast %jit3A_931 : f32 to vector<16x16x128xf32>
    %select_n3A_933 = arith.select %eq3A_930, %broadcast_in_dim3A_932, %select_n3A_907 : vector<16x16x128xi1>, vector<16x16x128xf32>
    %reduce_max3A_934 = arith.constant dense<0xFF800000> : vector<16x16xf32>
    %reduce_max3A_935 = vector.multi_reduction <maximumf>, %select_n3A_933, %reduce_max3A_934 [2] : vector<16x16x128xf32> to vector<16x16xf32>
    %broadcast_in_dim3A_936 = vector.shape_cast %reduce_max3A_935 : vector<16x16xf32> to vector<16x16x1xf32>
    %reduce_max3A_937 = arith.constant dense<0xFF800000> : vector<16x1xf32>
    %reduce_max3A_938 = vector.multi_reduction <maximumf>, %broadcast_in_dim3A_936, %reduce_max3A_937 [1] : vector<16x16x1xf32> to vector<16x1xf32>
    %broadcast_in_dim3A_939 = vector.shape_cast %reduce_max3A_938 : vector<16x1xf32> to vector<16x1x1xf32>
    %ge3A_940 = vector.broadcast %broadcast_in_dim3A_939 : vector<16x1x1xf32> to vector<16x16x128xf32>
    %ge3A_941 = arith.cmpf oge, %select_n3A_933, %ge3A_940 : vector<16x16x128xf32>
    %jit3A_942 = arith.constant 1073741824 : i32
    %broadcast_in_dim3A_943 = vector.broadcast %jit3A_942 : i32 to vector<16x16x128xi32>
    %select_n3A_944 = arith.select %ge3A_941, %add3A, %broadcast_in_dim3A_943 : vector<16x16x128xi1>, vector<16x16x128xi32>
    %reduce_min3A_945 = arith.constant dense<2147483647> : vector<16x16xi32>
    %reduce_min3A_946 = vector.multi_reduction <minsi>, %select_n3A_944, %reduce_min3A_945 [2] : vector<16x16x128xi32> to vector<16x16xi32>
    %broadcast_in_dim3A_947 = vector.shape_cast %reduce_min3A_946 : vector<16x16xi32> to vector<16x16x1xi32>
    %reduce_min3A_948 = arith.constant dense<2147483647> : vector<16x1xi32>
    %reduce_min3A_949 = vector.multi_reduction <minsi>, %broadcast_in_dim3A_947, %reduce_min3A_948 [1] : vector<16x16x1xi32> to vector<16x1xi32>
    %broadcast_in_dim3A_950 = vector.shape_cast %reduce_min3A_949 : vector<16x1xi32> to vector<16x1x1xi32>
    %swap3A_951 = arith.constant 0 : index
    %swap3A_952 = arith.constant 0 : index
    %swap3A_953 = arith.constant 36 : index
    %swap3A_954 = vector.load %arg2[%swap3A_951, %swap3A_952, %swap3A_953] : memref<16x1x40xi32, #tpu.memory_space<vmem>>, vector<16x1x1xi32>
    tpu.vector_store %arg2[%swap3A_951, %swap3A_952, %swap3A_953], %broadcast_in_dim3A_950 {strides = array<i32>} : memref<16x1x40xi32, #tpu.memory_space<vmem>>, vector<16x1x1xi32>,
    %eq3A_955 = vector.broadcast %broadcast_in_dim3A_950 : vector<16x1x1xi32> to vector<16x16x128xi32>
    %eq3A_956 = arith.cmpi eq, %add3A, %eq3A_955 : vector<16x16x128xi32>
    %jit3A_957 = arith.constant -3.000000e+38 : f32
    %broadcast_in_dim3A_958 = vector.broadcast %jit3A_957 : f32 to vector<16x16x128xf32>
    %select_n3A_959 = arith.select %eq3A_956, %broadcast_in_dim3A_958, %select_n3A_933 : vector<16x16x128xi1>, vector<16x16x128xf32>
    %reduce_max3A_960 = arith.constant dense<0xFF800000> : vector<16x16xf32>
    %reduce_max3A_961 = vector.multi_reduction <maximumf>, %select_n3A_959, %reduce_max3A_960 [2] : vector<16x16x128xf32> to vector<16x16xf32>
    %broadcast_in_dim3A_962 = vector.shape_cast %reduce_max3A_961 : vector<16x16xf32> to vector<16x16x1xf32>
    %reduce_max3A_963 = arith.constant dense<0xFF800000> : vector<16x1xf32>
    %reduce_max3A_964 = vector.multi_reduction <maximumf>, %broadcast_in_dim3A_962, %reduce_max3A_963 [1] : vector<16x16x1xf32> to vector<16x1xf32>
    %broadcast_in_dim3A_965 = vector.shape_cast %reduce_max3A_964 : vector<16x1xf32> to vector<16x1x1xf32>
    %ge3A_966 = vector.broadcast %broadcast_in_dim3A_965 : vector<16x1x1xf32> to vector<16x16x128xf32>
    %ge3A_967 = arith.cmpf oge, %select_n3A_959, %ge3A_966 : vector<16x16x128xf32>
    %jit3A_968 = arith.constant 1073741824 : i32
    %broadcast_in_dim3A_969 = vector.broadcast %jit3A_968 : i32 to vector<16x16x128xi32>
    %select_n3A_970 = arith.select %ge3A_967, %add3A, %broadcast_in_dim3A_969 : vector<16x16x128xi1>, vector<16x16x128xi32>
    %reduce_min3A_971 = arith.constant dense<2147483647> : vector<16x16xi32>
    %reduce_min3A_972 = vector.multi_reduction <minsi>, %select_n3A_970, %reduce_min3A_971 [2] : vector<16x16x128xi32> to vector<16x16xi32>
    %broadcast_in_dim3A_973 = vector.shape_cast %reduce_min3A_972 : vector<16x16xi32> to vector<16x16x1xi32>
    %reduce_min3A_974 = arith.constant dense<2147483647> : vector<16x1xi32>
    %reduce_min3A_975 = vector.multi_reduction <minsi>, %broadcast_in_dim3A_973, %reduce_min3A_974 [1] : vector<16x16x1xi32> to vector<16x1xi32>
    %broadcast_in_dim3A_976 = vector.shape_cast %reduce_min3A_975 : vector<16x1xi32> to vector<16x1x1xi32>
    %swap3A_977 = arith.constant 0 : index
    %swap3A_978 = arith.constant 0 : index
    %swap3A_979 = arith.constant 37 : index
    %swap3A_980 = vector.load %arg2[%swap3A_977, %swap3A_978, %swap3A_979] : memref<16x1x40xi32, #tpu.memory_space<vmem>>, vector<16x1x1xi32>
    tpu.vector_store %arg2[%swap3A_977, %swap3A_978, %swap3A_979], %broadcast_in_dim3A_976 {strides = array<i32>} : memref<16x1x40xi32, #tpu.memory_space<vmem>>, vector<16x1x1xi32>,
    %eq3A_981 = vector.broadcast %broadcast_in_dim3A_976 : vector<16x1x1xi32> to vector<16x16x128xi32>
    %eq3A_982 = arith.cmpi eq, %add3A, %eq3A_981 : vector<16x16x128xi32>
    %jit3A_983 = arith.constant -3.000000e+38 : f32
    %broadcast_in_dim3A_984 = vector.broadcast %jit3A_983 : f32 to vector<16x16x128xf32>
    %select_n3A_985 = arith.select %eq3A_982, %broadcast_in_dim3A_984, %select_n3A_959 : vector<16x16x128xi1>, vector<16x16x128xf32>
    %reduce_max3A_986 = arith.constant dense<0xFF800000> : vector<16x16xf32>
    %reduce_max3A_987 = vector.multi_reduction <maximumf>, %select_n3A_985, %reduce_max3A_986 [2] : vector<16x16x128xf32> to vector<16x16xf32>
    %broadcast_in_dim3A_988 = vector.shape_cast %reduce_max3A_987 : vector<16x16xf32> to vector<16x16x1xf32>
    %reduce_max3A_989 = arith.constant dense<0xFF800000> : vector<16x1xf32>
    %reduce_max3A_990 = vector.multi_reduction <maximumf>, %broadcast_in_dim3A_988, %reduce_max3A_989 [1] : vector<16x16x1xf32> to vector<16x1xf32>
    %broadcast_in_dim3A_991 = vector.shape_cast %reduce_max3A_990 : vector<16x1xf32> to vector<16x1x1xf32>
    %ge3A_992 = vector.broadcast %broadcast_in_dim3A_991 : vector<16x1x1xf32> to vector<16x16x128xf32>
    %ge3A_993 = arith.cmpf oge, %select_n3A_985, %ge3A_992 : vector<16x16x128xf32>
    %jit3A_994 = arith.constant 1073741824 : i32
    %broadcast_in_dim3A_995 = vector.broadcast %jit3A_994 : i32 to vector<16x16x128xi32>
    %select_n3A_996 = arith.select %ge3A_993, %add3A, %broadcast_in_dim3A_995 : vector<16x16x128xi1>, vector<16x16x128xi32>
    %reduce_min3A_997 = arith.constant dense<2147483647> : vector<16x16xi32>
    %reduce_min3A_998 = vector.multi_reduction <minsi>, %select_n3A_996, %reduce_min3A_997 [2] : vector<16x16x128xi32> to vector<16x16xi32>
    %broadcast_in_dim3A_999 = vector.shape_cast %reduce_min3A_998 : vector<16x16xi32> to vector<16x16x1xi32>
    %reduce_min3A_1000 = arith.constant dense<2147483647> : vector<16x1xi32>
    %reduce_min3A_1001 = vector.multi_reduction <minsi>, %broadcast_in_dim3A_999, %reduce_min3A_1000 [1] : vector<16x16x1xi32> to vector<16x1xi32>
    %broadcast_in_dim3A_1002 = vector.shape_cast %reduce_min3A_1001 : vector<16x1xi32> to vector<16x1x1xi32>
    %swap3A_1003 = arith.constant 0 : index
    %swap3A_1004 = arith.constant 0 : index
    %swap3A_1005 = arith.constant 38 : index
    %swap3A_1006 = vector.load %arg2[%swap3A_1003, %swap3A_1004, %swap3A_1005] : memref<16x1x40xi32, #tpu.memory_space<vmem>>, vector<16x1x1xi32>
    tpu.vector_store %arg2[%swap3A_1003, %swap3A_1004, %swap3A_1005], %broadcast_in_dim3A_1002 {strides = array<i32>} : memref<16x1x40xi32, #tpu.memory_space<vmem>>, vector<16x1x1xi32>,
    %eq3A_1007 = vector.broadcast %broadcast_in_dim3A_1002 : vector<16x1x1xi32> to vector<16x16x128xi32>
    %eq3A_1008 = arith.cmpi eq, %add3A, %eq3A_1007 : vector<16x16x128xi32>
    %jit3A_1009 = arith.constant -3.000000e+38 : f32
    %broadcast_in_dim3A_1010 = vector.broadcast %jit3A_1009 : f32 to vector<16x16x128xf32>
    %select_n3A_1011 = arith.select %eq3A_1008, %broadcast_in_dim3A_1010, %select_n3A_985 : vector<16x16x128xi1>, vector<16x16x128xf32>
    %reduce_max3A_1012 = arith.constant dense<0xFF800000> : vector<16x16xf32>
    %reduce_max3A_1013 = vector.multi_reduction <maximumf>, %select_n3A_1011, %reduce_max3A_1012 [2] : vector<16x16x128xf32> to vector<16x16xf32>
    %broadcast_in_dim3A_1014 = vector.shape_cast %reduce_max3A_1013 : vector<16x16xf32> to vector<16x16x1xf32>
    %reduce_max3A_1015 = arith.constant dense<0xFF800000> : vector<16x1xf32>
    %reduce_max3A_1016 = vector.multi_reduction <maximumf>, %broadcast_in_dim3A_1014, %reduce_max3A_1015 [1] : vector<16x16x1xf32> to vector<16x1xf32>
    %broadcast_in_dim3A_1017 = vector.shape_cast %reduce_max3A_1016 : vector<16x1xf32> to vector<16x1x1xf32>
    %ge3A_1018 = vector.broadcast %broadcast_in_dim3A_1017 : vector<16x1x1xf32> to vector<16x16x128xf32>
    %ge3A_1019 = arith.cmpf oge, %select_n3A_1011, %ge3A_1018 : vector<16x16x128xf32>
    %jit3A_1020 = arith.constant 1073741824 : i32
    %broadcast_in_dim3A_1021 = vector.broadcast %jit3A_1020 : i32 to vector<16x16x128xi32>
    %select_n3A_1022 = arith.select %ge3A_1019, %add3A, %broadcast_in_dim3A_1021 : vector<16x16x128xi1>, vector<16x16x128xi32>
    %reduce_min3A_1023 = arith.constant dense<2147483647> : vector<16x16xi32>
    %reduce_min3A_1024 = vector.multi_reduction <minsi>, %select_n3A_1022, %reduce_min3A_1023 [2] : vector<16x16x128xi32> to vector<16x16xi32>
    %broadcast_in_dim3A_1025 = vector.shape_cast %reduce_min3A_1024 : vector<16x16xi32> to vector<16x16x1xi32>
    %reduce_min3A_1026 = arith.constant dense<2147483647> : vector<16x1xi32>
    %reduce_min3A_1027 = vector.multi_reduction <minsi>, %broadcast_in_dim3A_1025, %reduce_min3A_1026 [1] : vector<16x16x1xi32> to vector<16x1xi32>
    %broadcast_in_dim3A_1028 = vector.shape_cast %reduce_min3A_1027 : vector<16x1xi32> to vector<16x1x1xi32>
    %swap3A_1029 = arith.constant 0 : index
    %swap3A_1030 = arith.constant 0 : index
    %swap3A_1031 = arith.constant 39 : index
    %swap3A_1032 = vector.load %arg2[%swap3A_1029, %swap3A_1030, %swap3A_1031] : memref<16x1x40xi32, #tpu.memory_space<vmem>>, vector<16x1x1xi32>
    tpu.vector_store %arg2[%swap3A_1029, %swap3A_1030, %swap3A_1031], %broadcast_in_dim3A_1028 {strides = array<i32>} : memref<16x1x40xi32, #tpu.memory_space<vmem>>, vector<16x1x1xi32>,
    return
  }
  func.func @transform_0(%arg0: i32) -> (i32, i32, i32) {
    %c0_i32 = arith.constant 0 : i32
    %c0_i32_0 = arith.constant 0 : i32
    %c0_i32_1 = arith.constant 0 : i32
    %c0_i32_2 = arith.constant 0 : i32
    return %c0_i32, %c0_i32_0, %c0_i32_1 : i32, i32, i32
  }
  func.func @transform_1(%arg0: i32) -> (i32, i32, i32) {
    %c0_i32 = arith.constant 0 : i32
    %c0_i32_0 = arith.constant 0 : i32
    %c0_i32_1 = arith.constant 0 : i32
    %c0_i32_2 = arith.constant 0 : i32
    return %c0_i32, %c0_i32_0, %c0_i32_1 : i32, i32, i32
  }
}

module attributes {stable_mosaic.version = 14 : i64} {
  func.func @_ctx_body(%arg0: i32, %arg1: memref<1x40x1xi32, #tpu.memory_space<vmem>>, %arg2: memref<1x1x40xi32, #tpu.memory_space<vmem>>, %arg3: memref<1x2048x128xf32, #tpu.memory_space<vmem>>, %arg4: memref<1x2048x128xf32, #tpu.memory_space<vmem>>, %arg5: memref<1x2048x128xf32, #tpu.memory_space<vmem>>, %arg6: memref<1x2048x128xf32, #tpu.memory_space<vmem>>) attributes {dimension_semantics = [#tpu.dimension_semantics<arbitrary>], iteration_bounds = array<i64: 16>, scalar_prefetch = 0 : i64, scratch_operands = 0 : i64, tpu.core_type = #tpu.core_type<tc>, window_params = [{transform_indices = @transform_0, window_bounds = array<i64: 1, 40, 1>}, {transform_indices = @transform_1, window_bounds = array<i64: 1, 1, 40>}, {transform_indices = @transform_2, window_bounds = array<i64: 1, 2048, 128>}, {transform_indices = @transform_3, window_bounds = array<i64: 1, 2048, 128>}, {transform_indices = @transform_4, window_bounds = array<i64: 1, 2048, 128>}, {transform_indices = @transform_5, window_bounds = array<i64: 1, 2048, 128>}]} {
    %get3A = arith.constant 0 : index
    %get3A_0 = arith.constant 0 : index
    %get3A_1 = arith.constant 0 : index
    %get3A_2 = vector.load %arg1[%get3A, %get3A_0, %get3A_1] : memref<1x40x1xi32, #tpu.memory_space<vmem>>, vector<1x40x1xi32>
    %get3A_3 = vector.shape_cast %get3A_2 : vector<1x40x1xi32> to vector<40x1xi32>
    %get3A_4 = arith.constant 0 : index
    %get3A_5 = arith.constant 0 : index
    %get3A_6 = arith.constant 0 : index
    %get3A_7 = vector.load %arg2[%get3A_4, %get3A_5, %get3A_6] : memref<1x1x40xi32, #tpu.memory_space<vmem>>, vector<1x1x40xi32>
    %get3A_8 = vector.shape_cast %get3A_7 : vector<1x1x40xi32> to vector<1x40xi32>
    %get3A_9 = arith.constant 0 : index
    %get3A_10 = arith.constant 0 : index
    %get3A_11 = arith.constant 0 : index
    %get3A_12 = vector.load %arg3[%get3A_9, %get3A_10, %get3A_11] : memref<1x2048x128xf32, #tpu.memory_space<vmem>>, vector<1x2048x128xf32>
    %get3A_13 = vector.shape_cast %get3A_12 : vector<1x2048x128xf32> to vector<2048x128xf32>
    %get3A_14 = arith.constant 0 : index
    %get3A_15 = arith.constant 0 : index
    %get3A_16 = arith.constant 0 : index
    %get3A_17 = vector.load %arg4[%get3A_14, %get3A_15, %get3A_16] : memref<1x2048x128xf32, #tpu.memory_space<vmem>>, vector<1x2048x128xf32>
    %get3A_18 = vector.shape_cast %get3A_17 : vector<1x2048x128xf32> to vector<2048x128xf32>
    %get3A_19 = arith.constant 0 : index
    %get3A_20 = arith.constant 0 : index
    %get3A_21 = arith.constant 0 : index
    %get3A_22 = vector.load %arg5[%get3A_19, %get3A_20, %get3A_21] : memref<1x2048x128xf32, #tpu.memory_space<vmem>>, vector<1x2048x128xf32>
    %get3A_23 = vector.shape_cast %get3A_22 : vector<1x2048x128xf32> to vector<2048x128xf32>
    %iota3A = tpu.iota {dimensions = array<i32: 1>} : vector<40x2048xi32>
    %eq3A = vector.broadcast %get3A_3 : vector<40x1xi32> to vector<40x2048xi32>
    %eq3A_24 = arith.cmpi eq, %iota3A, %eq3A : vector<40x2048xi32>
    %iota3A_25 = tpu.iota {dimensions = array<i32: 0>} : vector<2048x40xi32>
    %eq3A_26 = vector.broadcast %get3A_8 : vector<1x40xi32> to vector<2048x40xi32>
    %eq3A_27 = arith.cmpi eq, %iota3A_25, %eq3A_26 : vector<2048x40xi32>
    %convert_element_type3A = arith.extui %eq3A_24 : vector<40x2048xi1> to vector<40x2048xi32>
    %convert_element_type3A_28 = arith.sitofp %convert_element_type3A : vector<40x2048xi32> to vector<40x2048xf32>
    %dot_general3A = arith.constant dense<0.000000e+00> : vector<40x128xf32>
    %dot_general3A_29 = tpu.matmul %convert_element_type3A_28, %get3A_13, %dot_general3A {dimension_numbers = #tpu.dot_dimension_numbers<[1], [0], [0], [1], [0, 0, 1, 1], [], []>, transpose_lhs_hint = false} : vector<40x2048xf32>, vector<2048x128xf32>, vector<40x128xf32> -> vector<40x128xf32>
    %dot_general3A_30 = arith.constant dense<0.000000e+00> : vector<40x2048xf32>
    %dot_general3A_31 = tpu.matmul %dot_general3A_29, %get3A_18, %dot_general3A_30 {dimension_numbers = #tpu.dot_dimension_numbers<[1], [1], [0], [0], [0, 0, 1, 0], [], []>, transpose_lhs_hint = false} : vector<40x128xf32>, vector<2048x128xf32>, vector<40x2048xf32> -> vector<40x2048xf32>
    %mul3A = arith.constant 0.0883883461 : f32
    %mul3A_32 = vector.broadcast %mul3A : f32 to vector<40x2048xf32>
    %mul3A_33 = arith.mulf %dot_general3A_31, %mul3A_32 : vector<40x2048xf32>
    %iota3A_34 = tpu.iota {dimensions = array<i32: 1>} : vector<40x2048xi32>
    %gt3A = vector.broadcast %get3A_3 : vector<40x1xi32> to vector<40x2048xi32>
    %gt3A_35 = arith.cmpi sgt, %iota3A_34, %gt3A : vector<40x2048xi32>
    %jit3A = arith.constant 0xFF800000 : f32
    %broadcast_in_dim3A = vector.broadcast %jit3A : f32 to vector<40x2048xf32>
    %select_n3A = arith.select %gt3A_35, %broadcast_in_dim3A, %mul3A_33 : vector<40x2048xi1>, vector<40x2048xf32>
    %reduce_max3A = arith.constant dense<0xFF800000> : vector<40xf32>
    %reduce_max3A_36 = vector.multi_reduction <maximumf>, %select_n3A, %reduce_max3A [1] : vector<40x2048xf32> to vector<40xf32>
    %broadcast_in_dim3A_37 = vector.shape_cast %reduce_max3A_36 : vector<40xf32> to vector<40x1xf32>
    %sub3A = vector.broadcast %broadcast_in_dim3A_37 : vector<40x1xf32> to vector<40x2048xf32>
    %sub3A_38 = arith.subf %select_n3A, %sub3A : vector<40x2048xf32>
    %exp3A = math.exp %sub3A_38 : vector<40x2048xf32>
    %reduce_sum3A = arith.constant dense<0.000000e+00> : vector<40xf32>
    %reduce_sum3A_39 = vector.multi_reduction <add>, %exp3A, %reduce_sum3A [1] : vector<40x2048xf32> to vector<40xf32>
    %broadcast_in_dim3A_40 = vector.shape_cast %reduce_sum3A_39 : vector<40xf32> to vector<40x1xf32>
    %div3A = vector.broadcast %broadcast_in_dim3A_40 : vector<40x1xf32> to vector<40x2048xf32>
    %div3A_41 = arith.divf %exp3A, %div3A : vector<40x2048xf32>
    %dot_general3A_42 = arith.constant dense<0.000000e+00> : vector<40x128xf32>
    %dot_general3A_43 = tpu.matmul %div3A_41, %get3A_23, %dot_general3A_42 {dimension_numbers = #tpu.dot_dimension_numbers<[1], [0], [0], [1], [0, 0, 1, 1], [], []>, transpose_lhs_hint = false} : vector<40x2048xf32>, vector<2048x128xf32>, vector<40x128xf32> -> vector<40x128xf32>
    %convert_element_type3A_44 = arith.extui %eq3A_27 : vector<2048x40xi1> to vector<2048x40xi32>
    %convert_element_type3A_45 = arith.sitofp %convert_element_type3A_44 : vector<2048x40xi32> to vector<2048x40xf32>
    %dot_general3A_46 = arith.constant dense<0.000000e+00> : vector<2048x128xf32>
    %dot_general3A_47 = tpu.matmul %convert_element_type3A_45, %dot_general3A_43, %dot_general3A_46 {dimension_numbers = #tpu.dot_dimension_numbers<[1], [0], [0], [1], [0, 0, 1, 1], [], []>, transpose_lhs_hint = false} : vector<2048x40xf32>, vector<40x128xf32>, vector<2048x128xf32> -> vector<2048x128xf32>
    %convert_element_type3A_48 = arith.extui %eq3A_27 : vector<2048x40xi1> to vector<2048x40xi32>
    %convert_element_type3A_49 = arith.sitofp %convert_element_type3A_48 : vector<2048x40xi32> to vector<2048x40xf32>
    %reduce_sum3A_50 = arith.constant dense<0.000000e+00> : vector<2048xf32>
    %reduce_sum3A_51 = vector.multi_reduction <add>, %convert_element_type3A_49, %reduce_sum3A_50 [1] : vector<2048x40xf32> to vector<2048xf32>
    %broadcast_in_dim3A_52 = vector.shape_cast %reduce_sum3A_51 : vector<2048xf32> to vector<2048x1xf32>
    %gt3A_53 = arith.constant 0.000000e+00 : f32
    %gt3A_54 = vector.broadcast %gt3A_53 : f32 to vector<2048x1xf32>
    %gt3A_55 = arith.cmpf ogt, %broadcast_in_dim3A_52, %gt3A_54 : vector<2048x1xf32>
    %iota3A_56 = tpu.iota {dimensions = array<i32: 0>} : vector<128x128xi32>
    %iota3A_57 = tpu.iota {dimensions = array<i32: 1>} : vector<128x128xi32>
    %ge3A = arith.cmpi sge, %iota3A_56, %iota3A_57 : vector<128x128xi32>
    %convert_element_type3A_58 = arith.extui %ge3A : vector<128x128xi1> to vector<128x128xi32>
    %convert_element_type3A_59 = arith.sitofp %convert_element_type3A_58 : vector<128x128xi32> to vector<128x128xf32>
    %broadcast_in_dim3A_60 = arith.constant 0.000000e+00 : f32
    %broadcast_in_dim3A_61 = vector.broadcast %broadcast_in_dim3A_60 : f32 to vector<1x128xf32>
    %slice3A = vector.extract_strided_slice %get3A_23 {offsets = [0, 0], sizes = [128, 128], strides = [1, 1]} : vector<2048x128xf32> to vector<128x128xf32>
    %dot_general3A_62 = arith.constant dense<0.000000e+00> : vector<128x128xf32>
    %dot_general3A_63 = tpu.matmul %convert_element_type3A_59, %slice3A, %dot_general3A_62 {dimension_numbers = #tpu.dot_dimension_numbers<[1], [0], [0], [1], [0, 0, 1, 1], [], []>, precision = #tpu.contract_precision<fp32>, transpose_lhs_hint = false} : vector<128x128xf32>, vector<128x128xf32>, vector<128x128xf32> -> vector<128x128xf32>
    %add3A = vector.broadcast %broadcast_in_dim3A_61 : vector<1x128xf32> to vector<128x128xf32>
    %add3A_64 = arith.addf %dot_general3A_63, %add3A : vector<128x128xf32>
    %slice3A_65 = vector.extract_strided_slice %gt3A_55 {offsets = [0, 0], sizes = [128, 1], strides = [1, 1]} : vector<2048x1xi1> to vector<128x1xi1>
    %slice3A_66 = vector.extract_strided_slice %dot_general3A_47 {offsets = [0, 0], sizes = [128, 128], strides = [1, 1]} : vector<2048x128xf32> to vector<128x128xf32>
    %broadcast_in_dim3A_67 = vector.shape_cast %slice3A_65 : vector<128x1xi1> to vector<128x1xi1>
    %broadcast_in_dim3A_68 = vector.broadcast %broadcast_in_dim3A_67 : vector<128x1xi1> to vector<128x128xi1>
    %select_n3A_69 = arith.select %broadcast_in_dim3A_68, %slice3A_66, %add3A_64 : vector<128x128xi1>, vector<128x128xf32>
    %swap3A = arith.constant 0 : index
    %swap3A_70 = arith.constant 0 : index
    %swap3A_71 = arith.constant 0 : index
    %swap3A_72 = vector.load %arg6[%swap3A, %swap3A_70, %swap3A_71] : memref<1x2048x128xf32, #tpu.memory_space<vmem>>, vector<1x128x128xf32>
    %swap3A_73 = vector.shape_cast %swap3A_72 : vector<1x128x128xf32> to vector<128x128xf32>
    %swap3A_74 = vector.shape_cast %select_n3A_69 : vector<128x128xf32> to vector<1x128x128xf32>
    tpu.vector_store %arg6[%swap3A, %swap3A_70, %swap3A_71], %swap3A_74 {strides = array<i32>} : memref<1x2048x128xf32, #tpu.memory_space<vmem>>, vector<1x128x128xf32>,
    %reduce_sum3A_75 = arith.constant dense<0.000000e+00> : vector<128xf32>
    %reduce_sum3A_76 = vector.multi_reduction <add>, %slice3A, %reduce_sum3A_75 [0] : vector<128x128xf32> to vector<128xf32>
    %broadcast_in_dim3A_77 = vector.shape_cast %reduce_sum3A_76 : vector<128xf32> to vector<1x128xf32>
    %add3A_78 = arith.addf %broadcast_in_dim3A_61, %broadcast_in_dim3A_77 : vector<1x128xf32>
    %slice3A_79 = vector.extract_strided_slice %get3A_23 {offsets = [128, 0], sizes = [128, 128], strides = [1, 1]} : vector<2048x128xf32> to vector<128x128xf32>
    %dot_general3A_80 = arith.constant dense<0.000000e+00> : vector<128x128xf32>
    %dot_general3A_81 = tpu.matmul %convert_element_type3A_59, %slice3A_79, %dot_general3A_80 {dimension_numbers = #tpu.dot_dimension_numbers<[1], [0], [0], [1], [0, 0, 1, 1], [], []>, precision = #tpu.contract_precision<fp32>, transpose_lhs_hint = false} : vector<128x128xf32>, vector<128x128xf32>, vector<128x128xf32> -> vector<128x128xf32>
    %add3A_82 = vector.broadcast %add3A_78 : vector<1x128xf32> to vector<128x128xf32>
    %add3A_83 = arith.addf %dot_general3A_81, %add3A_82 : vector<128x128xf32>
    %slice3A_84 = vector.extract_strided_slice %gt3A_55 {offsets = [128, 0], sizes = [128, 1], strides = [1, 1]} : vector<2048x1xi1> to vector<128x1xi1>
    %slice3A_85 = vector.extract_strided_slice %dot_general3A_47 {offsets = [128, 0], sizes = [128, 128], strides = [1, 1]} : vector<2048x128xf32> to vector<128x128xf32>
    %broadcast_in_dim3A_86 = vector.shape_cast %slice3A_84 : vector<128x1xi1> to vector<128x1xi1>
    %broadcast_in_dim3A_87 = vector.broadcast %broadcast_in_dim3A_86 : vector<128x1xi1> to vector<128x128xi1>
    %select_n3A_88 = arith.select %broadcast_in_dim3A_87, %slice3A_85, %add3A_83 : vector<128x128xi1>, vector<128x128xf32>
    %swap3A_89 = arith.constant 0 : index
    %swap3A_90 = arith.constant 128 : index
    %swap3A_91 = arith.constant 0 : index
    %swap3A_92 = vector.load %arg6[%swap3A_89, %swap3A_90, %swap3A_91] : memref<1x2048x128xf32, #tpu.memory_space<vmem>>, vector<1x128x128xf32>
    %swap3A_93 = vector.shape_cast %swap3A_92 : vector<1x128x128xf32> to vector<128x128xf32>
    %swap3A_94 = vector.shape_cast %select_n3A_88 : vector<128x128xf32> to vector<1x128x128xf32>
    tpu.vector_store %arg6[%swap3A_89, %swap3A_90, %swap3A_91], %swap3A_94 {strides = array<i32>} : memref<1x2048x128xf32, #tpu.memory_space<vmem>>, vector<1x128x128xf32>,
    %reduce_sum3A_95 = arith.constant dense<0.000000e+00> : vector<128xf32>
    %reduce_sum3A_96 = vector.multi_reduction <add>, %slice3A_79, %reduce_sum3A_95 [0] : vector<128x128xf32> to vector<128xf32>
    %broadcast_in_dim3A_97 = vector.shape_cast %reduce_sum3A_96 : vector<128xf32> to vector<1x128xf32>
    %add3A_98 = arith.addf %add3A_78, %broadcast_in_dim3A_97 : vector<1x128xf32>
    %slice3A_99 = vector.extract_strided_slice %get3A_23 {offsets = [256, 0], sizes = [128, 128], strides = [1, 1]} : vector<2048x128xf32> to vector<128x128xf32>
    %dot_general3A_100 = arith.constant dense<0.000000e+00> : vector<128x128xf32>
    %dot_general3A_101 = tpu.matmul %convert_element_type3A_59, %slice3A_99, %dot_general3A_100 {dimension_numbers = #tpu.dot_dimension_numbers<[1], [0], [0], [1], [0, 0, 1, 1], [], []>, precision = #tpu.contract_precision<fp32>, transpose_lhs_hint = false} : vector<128x128xf32>, vector<128x128xf32>, vector<128x128xf32> -> vector<128x128xf32>
    %add3A_102 = vector.broadcast %add3A_98 : vector<1x128xf32> to vector<128x128xf32>
    %add3A_103 = arith.addf %dot_general3A_101, %add3A_102 : vector<128x128xf32>
    %slice3A_104 = vector.extract_strided_slice %gt3A_55 {offsets = [256, 0], sizes = [128, 1], strides = [1, 1]} : vector<2048x1xi1> to vector<128x1xi1>
    %slice3A_105 = vector.extract_strided_slice %dot_general3A_47 {offsets = [256, 0], sizes = [128, 128], strides = [1, 1]} : vector<2048x128xf32> to vector<128x128xf32>
    %broadcast_in_dim3A_106 = vector.shape_cast %slice3A_104 : vector<128x1xi1> to vector<128x1xi1>
    %broadcast_in_dim3A_107 = vector.broadcast %broadcast_in_dim3A_106 : vector<128x1xi1> to vector<128x128xi1>
    %select_n3A_108 = arith.select %broadcast_in_dim3A_107, %slice3A_105, %add3A_103 : vector<128x128xi1>, vector<128x128xf32>
    %swap3A_109 = arith.constant 0 : index
    %swap3A_110 = arith.constant 256 : index
    %swap3A_111 = arith.constant 0 : index
    %swap3A_112 = vector.load %arg6[%swap3A_109, %swap3A_110, %swap3A_111] : memref<1x2048x128xf32, #tpu.memory_space<vmem>>, vector<1x128x128xf32>
    %swap3A_113 = vector.shape_cast %swap3A_112 : vector<1x128x128xf32> to vector<128x128xf32>
    %swap3A_114 = vector.shape_cast %select_n3A_108 : vector<128x128xf32> to vector<1x128x128xf32>
    tpu.vector_store %arg6[%swap3A_109, %swap3A_110, %swap3A_111], %swap3A_114 {strides = array<i32>} : memref<1x2048x128xf32, #tpu.memory_space<vmem>>, vector<1x128x128xf32>,
    %reduce_sum3A_115 = arith.constant dense<0.000000e+00> : vector<128xf32>
    %reduce_sum3A_116 = vector.multi_reduction <add>, %slice3A_99, %reduce_sum3A_115 [0] : vector<128x128xf32> to vector<128xf32>
    %broadcast_in_dim3A_117 = vector.shape_cast %reduce_sum3A_116 : vector<128xf32> to vector<1x128xf32>
    %add3A_118 = arith.addf %add3A_98, %broadcast_in_dim3A_117 : vector<1x128xf32>
    %slice3A_119 = vector.extract_strided_slice %get3A_23 {offsets = [384, 0], sizes = [128, 128], strides = [1, 1]} : vector<2048x128xf32> to vector<128x128xf32>
    %dot_general3A_120 = arith.constant dense<0.000000e+00> : vector<128x128xf32>
    %dot_general3A_121 = tpu.matmul %convert_element_type3A_59, %slice3A_119, %dot_general3A_120 {dimension_numbers = #tpu.dot_dimension_numbers<[1], [0], [0], [1], [0, 0, 1, 1], [], []>, precision = #tpu.contract_precision<fp32>, transpose_lhs_hint = false} : vector<128x128xf32>, vector<128x128xf32>, vector<128x128xf32> -> vector<128x128xf32>
    %add3A_122 = vector.broadcast %add3A_118 : vector<1x128xf32> to vector<128x128xf32>
    %add3A_123 = arith.addf %dot_general3A_121, %add3A_122 : vector<128x128xf32>
    %slice3A_124 = vector.extract_strided_slice %gt3A_55 {offsets = [384, 0], sizes = [128, 1], strides = [1, 1]} : vector<2048x1xi1> to vector<128x1xi1>
    %slice3A_125 = vector.extract_strided_slice %dot_general3A_47 {offsets = [384, 0], sizes = [128, 128], strides = [1, 1]} : vector<2048x128xf32> to vector<128x128xf32>
    %broadcast_in_dim3A_126 = vector.shape_cast %slice3A_124 : vector<128x1xi1> to vector<128x1xi1>
    %broadcast_in_dim3A_127 = vector.broadcast %broadcast_in_dim3A_126 : vector<128x1xi1> to vector<128x128xi1>
    %select_n3A_128 = arith.select %broadcast_in_dim3A_127, %slice3A_125, %add3A_123 : vector<128x128xi1>, vector<128x128xf32>
    %swap3A_129 = arith.constant 0 : index
    %swap3A_130 = arith.constant 384 : index
    %swap3A_131 = arith.constant 0 : index
    %swap3A_132 = vector.load %arg6[%swap3A_129, %swap3A_130, %swap3A_131] : memref<1x2048x128xf32, #tpu.memory_space<vmem>>, vector<1x128x128xf32>
    %swap3A_133 = vector.shape_cast %swap3A_132 : vector<1x128x128xf32> to vector<128x128xf32>
    %swap3A_134 = vector.shape_cast %select_n3A_128 : vector<128x128xf32> to vector<1x128x128xf32>
    tpu.vector_store %arg6[%swap3A_129, %swap3A_130, %swap3A_131], %swap3A_134 {strides = array<i32>} : memref<1x2048x128xf32, #tpu.memory_space<vmem>>, vector<1x128x128xf32>,
    %reduce_sum3A_135 = arith.constant dense<0.000000e+00> : vector<128xf32>
    %reduce_sum3A_136 = vector.multi_reduction <add>, %slice3A_119, %reduce_sum3A_135 [0] : vector<128x128xf32> to vector<128xf32>
    %broadcast_in_dim3A_137 = vector.shape_cast %reduce_sum3A_136 : vector<128xf32> to vector<1x128xf32>
    %add3A_138 = arith.addf %add3A_118, %broadcast_in_dim3A_137 : vector<1x128xf32>
    %slice3A_139 = vector.extract_strided_slice %get3A_23 {offsets = [512, 0], sizes = [128, 128], strides = [1, 1]} : vector<2048x128xf32> to vector<128x128xf32>
    %dot_general3A_140 = arith.constant dense<0.000000e+00> : vector<128x128xf32>
    %dot_general3A_141 = tpu.matmul %convert_element_type3A_59, %slice3A_139, %dot_general3A_140 {dimension_numbers = #tpu.dot_dimension_numbers<[1], [0], [0], [1], [0, 0, 1, 1], [], []>, precision = #tpu.contract_precision<fp32>, transpose_lhs_hint = false} : vector<128x128xf32>, vector<128x128xf32>, vector<128x128xf32> -> vector<128x128xf32>
    %add3A_142 = vector.broadcast %add3A_138 : vector<1x128xf32> to vector<128x128xf32>
    %add3A_143 = arith.addf %dot_general3A_141, %add3A_142 : vector<128x128xf32>
    %slice3A_144 = vector.extract_strided_slice %gt3A_55 {offsets = [512, 0], sizes = [128, 1], strides = [1, 1]} : vector<2048x1xi1> to vector<128x1xi1>
    %slice3A_145 = vector.extract_strided_slice %dot_general3A_47 {offsets = [512, 0], sizes = [128, 128], strides = [1, 1]} : vector<2048x128xf32> to vector<128x128xf32>
    %broadcast_in_dim3A_146 = vector.shape_cast %slice3A_144 : vector<128x1xi1> to vector<128x1xi1>
    %broadcast_in_dim3A_147 = vector.broadcast %broadcast_in_dim3A_146 : vector<128x1xi1> to vector<128x128xi1>
    %select_n3A_148 = arith.select %broadcast_in_dim3A_147, %slice3A_145, %add3A_143 : vector<128x128xi1>, vector<128x128xf32>
    %swap3A_149 = arith.constant 0 : index
    %swap3A_150 = arith.constant 512 : index
    %swap3A_151 = arith.constant 0 : index
    %swap3A_152 = vector.load %arg6[%swap3A_149, %swap3A_150, %swap3A_151] : memref<1x2048x128xf32, #tpu.memory_space<vmem>>, vector<1x128x128xf32>
    %swap3A_153 = vector.shape_cast %swap3A_152 : vector<1x128x128xf32> to vector<128x128xf32>
    %swap3A_154 = vector.shape_cast %select_n3A_148 : vector<128x128xf32> to vector<1x128x128xf32>
    tpu.vector_store %arg6[%swap3A_149, %swap3A_150, %swap3A_151], %swap3A_154 {strides = array<i32>} : memref<1x2048x128xf32, #tpu.memory_space<vmem>>, vector<1x128x128xf32>,
    %reduce_sum3A_155 = arith.constant dense<0.000000e+00> : vector<128xf32>
    %reduce_sum3A_156 = vector.multi_reduction <add>, %slice3A_139, %reduce_sum3A_155 [0] : vector<128x128xf32> to vector<128xf32>
    %broadcast_in_dim3A_157 = vector.shape_cast %reduce_sum3A_156 : vector<128xf32> to vector<1x128xf32>
    %add3A_158 = arith.addf %add3A_138, %broadcast_in_dim3A_157 : vector<1x128xf32>
    %slice3A_159 = vector.extract_strided_slice %get3A_23 {offsets = [640, 0], sizes = [128, 128], strides = [1, 1]} : vector<2048x128xf32> to vector<128x128xf32>
    %dot_general3A_160 = arith.constant dense<0.000000e+00> : vector<128x128xf32>
    %dot_general3A_161 = tpu.matmul %convert_element_type3A_59, %slice3A_159, %dot_general3A_160 {dimension_numbers = #tpu.dot_dimension_numbers<[1], [0], [0], [1], [0, 0, 1, 1], [], []>, precision = #tpu.contract_precision<fp32>, transpose_lhs_hint = false} : vector<128x128xf32>, vector<128x128xf32>, vector<128x128xf32> -> vector<128x128xf32>
    %add3A_162 = vector.broadcast %add3A_158 : vector<1x128xf32> to vector<128x128xf32>
    %add3A_163 = arith.addf %dot_general3A_161, %add3A_162 : vector<128x128xf32>
    %slice3A_164 = vector.extract_strided_slice %gt3A_55 {offsets = [640, 0], sizes = [128, 1], strides = [1, 1]} : vector<2048x1xi1> to vector<128x1xi1>
    %slice3A_165 = vector.extract_strided_slice %dot_general3A_47 {offsets = [640, 0], sizes = [128, 128], strides = [1, 1]} : vector<2048x128xf32> to vector<128x128xf32>
    %broadcast_in_dim3A_166 = vector.shape_cast %slice3A_164 : vector<128x1xi1> to vector<128x1xi1>
    %broadcast_in_dim3A_167 = vector.broadcast %broadcast_in_dim3A_166 : vector<128x1xi1> to vector<128x128xi1>
    %select_n3A_168 = arith.select %broadcast_in_dim3A_167, %slice3A_165, %add3A_163 : vector<128x128xi1>, vector<128x128xf32>
    %swap3A_169 = arith.constant 0 : index
    %swap3A_170 = arith.constant 640 : index
    %swap3A_171 = arith.constant 0 : index
    %swap3A_172 = vector.load %arg6[%swap3A_169, %swap3A_170, %swap3A_171] : memref<1x2048x128xf32, #tpu.memory_space<vmem>>, vector<1x128x128xf32>
    %swap3A_173 = vector.shape_cast %swap3A_172 : vector<1x128x128xf32> to vector<128x128xf32>
    %swap3A_174 = vector.shape_cast %select_n3A_168 : vector<128x128xf32> to vector<1x128x128xf32>
    tpu.vector_store %arg6[%swap3A_169, %swap3A_170, %swap3A_171], %swap3A_174 {strides = array<i32>} : memref<1x2048x128xf32, #tpu.memory_space<vmem>>, vector<1x128x128xf32>,
    %reduce_sum3A_175 = arith.constant dense<0.000000e+00> : vector<128xf32>
    %reduce_sum3A_176 = vector.multi_reduction <add>, %slice3A_159, %reduce_sum3A_175 [0] : vector<128x128xf32> to vector<128xf32>
    %broadcast_in_dim3A_177 = vector.shape_cast %reduce_sum3A_176 : vector<128xf32> to vector<1x128xf32>
    %add3A_178 = arith.addf %add3A_158, %broadcast_in_dim3A_177 : vector<1x128xf32>
    %slice3A_179 = vector.extract_strided_slice %get3A_23 {offsets = [768, 0], sizes = [128, 128], strides = [1, 1]} : vector<2048x128xf32> to vector<128x128xf32>
    %dot_general3A_180 = arith.constant dense<0.000000e+00> : vector<128x128xf32>
    %dot_general3A_181 = tpu.matmul %convert_element_type3A_59, %slice3A_179, %dot_general3A_180 {dimension_numbers = #tpu.dot_dimension_numbers<[1], [0], [0], [1], [0, 0, 1, 1], [], []>, precision = #tpu.contract_precision<fp32>, transpose_lhs_hint = false} : vector<128x128xf32>, vector<128x128xf32>, vector<128x128xf32> -> vector<128x128xf32>
    %add3A_182 = vector.broadcast %add3A_178 : vector<1x128xf32> to vector<128x128xf32>
    %add3A_183 = arith.addf %dot_general3A_181, %add3A_182 : vector<128x128xf32>
    %slice3A_184 = vector.extract_strided_slice %gt3A_55 {offsets = [768, 0], sizes = [128, 1], strides = [1, 1]} : vector<2048x1xi1> to vector<128x1xi1>
    %slice3A_185 = vector.extract_strided_slice %dot_general3A_47 {offsets = [768, 0], sizes = [128, 128], strides = [1, 1]} : vector<2048x128xf32> to vector<128x128xf32>
    %broadcast_in_dim3A_186 = vector.shape_cast %slice3A_184 : vector<128x1xi1> to vector<128x1xi1>
    %broadcast_in_dim3A_187 = vector.broadcast %broadcast_in_dim3A_186 : vector<128x1xi1> to vector<128x128xi1>
    %select_n3A_188 = arith.select %broadcast_in_dim3A_187, %slice3A_185, %add3A_183 : vector<128x128xi1>, vector<128x128xf32>
    %swap3A_189 = arith.constant 0 : index
    %swap3A_190 = arith.constant 768 : index
    %swap3A_191 = arith.constant 0 : index
    %swap3A_192 = vector.load %arg6[%swap3A_189, %swap3A_190, %swap3A_191] : memref<1x2048x128xf32, #tpu.memory_space<vmem>>, vector<1x128x128xf32>
    %swap3A_193 = vector.shape_cast %swap3A_192 : vector<1x128x128xf32> to vector<128x128xf32>
    %swap3A_194 = vector.shape_cast %select_n3A_188 : vector<128x128xf32> to vector<1x128x128xf32>
    tpu.vector_store %arg6[%swap3A_189, %swap3A_190, %swap3A_191], %swap3A_194 {strides = array<i32>} : memref<1x2048x128xf32, #tpu.memory_space<vmem>>, vector<1x128x128xf32>,
    %reduce_sum3A_195 = arith.constant dense<0.000000e+00> : vector<128xf32>
    %reduce_sum3A_196 = vector.multi_reduction <add>, %slice3A_179, %reduce_sum3A_195 [0] : vector<128x128xf32> to vector<128xf32>
    %broadcast_in_dim3A_197 = vector.shape_cast %reduce_sum3A_196 : vector<128xf32> to vector<1x128xf32>
    %add3A_198 = arith.addf %add3A_178, %broadcast_in_dim3A_197 : vector<1x128xf32>
    %slice3A_199 = vector.extract_strided_slice %get3A_23 {offsets = [896, 0], sizes = [128, 128], strides = [1, 1]} : vector<2048x128xf32> to vector<128x128xf32>
    %dot_general3A_200 = arith.constant dense<0.000000e+00> : vector<128x128xf32>
    %dot_general3A_201 = tpu.matmul %convert_element_type3A_59, %slice3A_199, %dot_general3A_200 {dimension_numbers = #tpu.dot_dimension_numbers<[1], [0], [0], [1], [0, 0, 1, 1], [], []>, precision = #tpu.contract_precision<fp32>, transpose_lhs_hint = false} : vector<128x128xf32>, vector<128x128xf32>, vector<128x128xf32> -> vector<128x128xf32>
    %add3A_202 = vector.broadcast %add3A_198 : vector<1x128xf32> to vector<128x128xf32>
    %add3A_203 = arith.addf %dot_general3A_201, %add3A_202 : vector<128x128xf32>
    %slice3A_204 = vector.extract_strided_slice %gt3A_55 {offsets = [896, 0], sizes = [128, 1], strides = [1, 1]} : vector<2048x1xi1> to vector<128x1xi1>
    %slice3A_205 = vector.extract_strided_slice %dot_general3A_47 {offsets = [896, 0], sizes = [128, 128], strides = [1, 1]} : vector<2048x128xf32> to vector<128x128xf32>
    %broadcast_in_dim3A_206 = vector.shape_cast %slice3A_204 : vector<128x1xi1> to vector<128x1xi1>
    %broadcast_in_dim3A_207 = vector.broadcast %broadcast_in_dim3A_206 : vector<128x1xi1> to vector<128x128xi1>
    %select_n3A_208 = arith.select %broadcast_in_dim3A_207, %slice3A_205, %add3A_203 : vector<128x128xi1>, vector<128x128xf32>
    %swap3A_209 = arith.constant 0 : index
    %swap3A_210 = arith.constant 896 : index
    %swap3A_211 = arith.constant 0 : index
    %swap3A_212 = vector.load %arg6[%swap3A_209, %swap3A_210, %swap3A_211] : memref<1x2048x128xf32, #tpu.memory_space<vmem>>, vector<1x128x128xf32>
    %swap3A_213 = vector.shape_cast %swap3A_212 : vector<1x128x128xf32> to vector<128x128xf32>
    %swap3A_214 = vector.shape_cast %select_n3A_208 : vector<128x128xf32> to vector<1x128x128xf32>
    tpu.vector_store %arg6[%swap3A_209, %swap3A_210, %swap3A_211], %swap3A_214 {strides = array<i32>} : memref<1x2048x128xf32, #tpu.memory_space<vmem>>, vector<1x128x128xf32>,
    %reduce_sum3A_215 = arith.constant dense<0.000000e+00> : vector<128xf32>
    %reduce_sum3A_216 = vector.multi_reduction <add>, %slice3A_199, %reduce_sum3A_215 [0] : vector<128x128xf32> to vector<128xf32>
    %broadcast_in_dim3A_217 = vector.shape_cast %reduce_sum3A_216 : vector<128xf32> to vector<1x128xf32>
    %add3A_218 = arith.addf %add3A_198, %broadcast_in_dim3A_217 : vector<1x128xf32>
    %slice3A_219 = vector.extract_strided_slice %get3A_23 {offsets = [1024, 0], sizes = [128, 128], strides = [1, 1]} : vector<2048x128xf32> to vector<128x128xf32>
    %dot_general3A_220 = arith.constant dense<0.000000e+00> : vector<128x128xf32>
    %dot_general3A_221 = tpu.matmul %convert_element_type3A_59, %slice3A_219, %dot_general3A_220 {dimension_numbers = #tpu.dot_dimension_numbers<[1], [0], [0], [1], [0, 0, 1, 1], [], []>, precision = #tpu.contract_precision<fp32>, transpose_lhs_hint = false} : vector<128x128xf32>, vector<128x128xf32>, vector<128x128xf32> -> vector<128x128xf32>
    %add3A_222 = vector.broadcast %add3A_218 : vector<1x128xf32> to vector<128x128xf32>
    %add3A_223 = arith.addf %dot_general3A_221, %add3A_222 : vector<128x128xf32>
    %slice3A_224 = vector.extract_strided_slice %gt3A_55 {offsets = [1024, 0], sizes = [128, 1], strides = [1, 1]} : vector<2048x1xi1> to vector<128x1xi1>
    %slice3A_225 = vector.extract_strided_slice %dot_general3A_47 {offsets = [1024, 0], sizes = [128, 128], strides = [1, 1]} : vector<2048x128xf32> to vector<128x128xf32>
    %broadcast_in_dim3A_226 = vector.shape_cast %slice3A_224 : vector<128x1xi1> to vector<128x1xi1>
    %broadcast_in_dim3A_227 = vector.broadcast %broadcast_in_dim3A_226 : vector<128x1xi1> to vector<128x128xi1>
    %select_n3A_228 = arith.select %broadcast_in_dim3A_227, %slice3A_225, %add3A_223 : vector<128x128xi1>, vector<128x128xf32>
    %swap3A_229 = arith.constant 0 : index
    %swap3A_230 = arith.constant 1024 : index
    %swap3A_231 = arith.constant 0 : index
    %swap3A_232 = vector.load %arg6[%swap3A_229, %swap3A_230, %swap3A_231] : memref<1x2048x128xf32, #tpu.memory_space<vmem>>, vector<1x128x128xf32>
    %swap3A_233 = vector.shape_cast %swap3A_232 : vector<1x128x128xf32> to vector<128x128xf32>
    %swap3A_234 = vector.shape_cast %select_n3A_228 : vector<128x128xf32> to vector<1x128x128xf32>
    tpu.vector_store %arg6[%swap3A_229, %swap3A_230, %swap3A_231], %swap3A_234 {strides = array<i32>} : memref<1x2048x128xf32, #tpu.memory_space<vmem>>, vector<1x128x128xf32>,
    %reduce_sum3A_235 = arith.constant dense<0.000000e+00> : vector<128xf32>
    %reduce_sum3A_236 = vector.multi_reduction <add>, %slice3A_219, %reduce_sum3A_235 [0] : vector<128x128xf32> to vector<128xf32>
    %broadcast_in_dim3A_237 = vector.shape_cast %reduce_sum3A_236 : vector<128xf32> to vector<1x128xf32>
    %add3A_238 = arith.addf %add3A_218, %broadcast_in_dim3A_237 : vector<1x128xf32>
    %slice3A_239 = vector.extract_strided_slice %get3A_23 {offsets = [1152, 0], sizes = [128, 128], strides = [1, 1]} : vector<2048x128xf32> to vector<128x128xf32>
    %dot_general3A_240 = arith.constant dense<0.000000e+00> : vector<128x128xf32>
    %dot_general3A_241 = tpu.matmul %convert_element_type3A_59, %slice3A_239, %dot_general3A_240 {dimension_numbers = #tpu.dot_dimension_numbers<[1], [0], [0], [1], [0, 0, 1, 1], [], []>, precision = #tpu.contract_precision<fp32>, transpose_lhs_hint = false} : vector<128x128xf32>, vector<128x128xf32>, vector<128x128xf32> -> vector<128x128xf32>
    %add3A_242 = vector.broadcast %add3A_238 : vector<1x128xf32> to vector<128x128xf32>
    %add3A_243 = arith.addf %dot_general3A_241, %add3A_242 : vector<128x128xf32>
    %slice3A_244 = vector.extract_strided_slice %gt3A_55 {offsets = [1152, 0], sizes = [128, 1], strides = [1, 1]} : vector<2048x1xi1> to vector<128x1xi1>
    %slice3A_245 = vector.extract_strided_slice %dot_general3A_47 {offsets = [1152, 0], sizes = [128, 128], strides = [1, 1]} : vector<2048x128xf32> to vector<128x128xf32>
    %broadcast_in_dim3A_246 = vector.shape_cast %slice3A_244 : vector<128x1xi1> to vector<128x1xi1>
    %broadcast_in_dim3A_247 = vector.broadcast %broadcast_in_dim3A_246 : vector<128x1xi1> to vector<128x128xi1>
    %select_n3A_248 = arith.select %broadcast_in_dim3A_247, %slice3A_245, %add3A_243 : vector<128x128xi1>, vector<128x128xf32>
    %swap3A_249 = arith.constant 0 : index
    %swap3A_250 = arith.constant 1152 : index
    %swap3A_251 = arith.constant 0 : index
    %swap3A_252 = vector.load %arg6[%swap3A_249, %swap3A_250, %swap3A_251] : memref<1x2048x128xf32, #tpu.memory_space<vmem>>, vector<1x128x128xf32>
    %swap3A_253 = vector.shape_cast %swap3A_252 : vector<1x128x128xf32> to vector<128x128xf32>
    %swap3A_254 = vector.shape_cast %select_n3A_248 : vector<128x128xf32> to vector<1x128x128xf32>
    tpu.vector_store %arg6[%swap3A_249, %swap3A_250, %swap3A_251], %swap3A_254 {strides = array<i32>} : memref<1x2048x128xf32, #tpu.memory_space<vmem>>, vector<1x128x128xf32>,
    %reduce_sum3A_255 = arith.constant dense<0.000000e+00> : vector<128xf32>
    %reduce_sum3A_256 = vector.multi_reduction <add>, %slice3A_239, %reduce_sum3A_255 [0] : vector<128x128xf32> to vector<128xf32>
    %broadcast_in_dim3A_257 = vector.shape_cast %reduce_sum3A_256 : vector<128xf32> to vector<1x128xf32>
    %add3A_258 = arith.addf %add3A_238, %broadcast_in_dim3A_257 : vector<1x128xf32>
    %slice3A_259 = vector.extract_strided_slice %get3A_23 {offsets = [1280, 0], sizes = [128, 128], strides = [1, 1]} : vector<2048x128xf32> to vector<128x128xf32>
    %dot_general3A_260 = arith.constant dense<0.000000e+00> : vector<128x128xf32>
    %dot_general3A_261 = tpu.matmul %convert_element_type3A_59, %slice3A_259, %dot_general3A_260 {dimension_numbers = #tpu.dot_dimension_numbers<[1], [0], [0], [1], [0, 0, 1, 1], [], []>, precision = #tpu.contract_precision<fp32>, transpose_lhs_hint = false} : vector<128x128xf32>, vector<128x128xf32>, vector<128x128xf32> -> vector<128x128xf32>
    %add3A_262 = vector.broadcast %add3A_258 : vector<1x128xf32> to vector<128x128xf32>
    %add3A_263 = arith.addf %dot_general3A_261, %add3A_262 : vector<128x128xf32>
    %slice3A_264 = vector.extract_strided_slice %gt3A_55 {offsets = [1280, 0], sizes = [128, 1], strides = [1, 1]} : vector<2048x1xi1> to vector<128x1xi1>
    %slice3A_265 = vector.extract_strided_slice %dot_general3A_47 {offsets = [1280, 0], sizes = [128, 128], strides = [1, 1]} : vector<2048x128xf32> to vector<128x128xf32>
    %broadcast_in_dim3A_266 = vector.shape_cast %slice3A_264 : vector<128x1xi1> to vector<128x1xi1>
    %broadcast_in_dim3A_267 = vector.broadcast %broadcast_in_dim3A_266 : vector<128x1xi1> to vector<128x128xi1>
    %select_n3A_268 = arith.select %broadcast_in_dim3A_267, %slice3A_265, %add3A_263 : vector<128x128xi1>, vector<128x128xf32>
    %swap3A_269 = arith.constant 0 : index
    %swap3A_270 = arith.constant 1280 : index
    %swap3A_271 = arith.constant 0 : index
    %swap3A_272 = vector.load %arg6[%swap3A_269, %swap3A_270, %swap3A_271] : memref<1x2048x128xf32, #tpu.memory_space<vmem>>, vector<1x128x128xf32>
    %swap3A_273 = vector.shape_cast %swap3A_272 : vector<1x128x128xf32> to vector<128x128xf32>
    %swap3A_274 = vector.shape_cast %select_n3A_268 : vector<128x128xf32> to vector<1x128x128xf32>
    tpu.vector_store %arg6[%swap3A_269, %swap3A_270, %swap3A_271], %swap3A_274 {strides = array<i32>} : memref<1x2048x128xf32, #tpu.memory_space<vmem>>, vector<1x128x128xf32>,
    %reduce_sum3A_275 = arith.constant dense<0.000000e+00> : vector<128xf32>
    %reduce_sum3A_276 = vector.multi_reduction <add>, %slice3A_259, %reduce_sum3A_275 [0] : vector<128x128xf32> to vector<128xf32>
    %broadcast_in_dim3A_277 = vector.shape_cast %reduce_sum3A_276 : vector<128xf32> to vector<1x128xf32>
    %add3A_278 = arith.addf %add3A_258, %broadcast_in_dim3A_277 : vector<1x128xf32>
    %slice3A_279 = vector.extract_strided_slice %get3A_23 {offsets = [1408, 0], sizes = [128, 128], strides = [1, 1]} : vector<2048x128xf32> to vector<128x128xf32>
    %dot_general3A_280 = arith.constant dense<0.000000e+00> : vector<128x128xf32>
    %dot_general3A_281 = tpu.matmul %convert_element_type3A_59, %slice3A_279, %dot_general3A_280 {dimension_numbers = #tpu.dot_dimension_numbers<[1], [0], [0], [1], [0, 0, 1, 1], [], []>, precision = #tpu.contract_precision<fp32>, transpose_lhs_hint = false} : vector<128x128xf32>, vector<128x128xf32>, vector<128x128xf32> -> vector<128x128xf32>
    %add3A_282 = vector.broadcast %add3A_278 : vector<1x128xf32> to vector<128x128xf32>
    %add3A_283 = arith.addf %dot_general3A_281, %add3A_282 : vector<128x128xf32>
    %slice3A_284 = vector.extract_strided_slice %gt3A_55 {offsets = [1408, 0], sizes = [128, 1], strides = [1, 1]} : vector<2048x1xi1> to vector<128x1xi1>
    %slice3A_285 = vector.extract_strided_slice %dot_general3A_47 {offsets = [1408, 0], sizes = [128, 128], strides = [1, 1]} : vector<2048x128xf32> to vector<128x128xf32>
    %broadcast_in_dim3A_286 = vector.shape_cast %slice3A_284 : vector<128x1xi1> to vector<128x1xi1>
    %broadcast_in_dim3A_287 = vector.broadcast %broadcast_in_dim3A_286 : vector<128x1xi1> to vector<128x128xi1>
    %select_n3A_288 = arith.select %broadcast_in_dim3A_287, %slice3A_285, %add3A_283 : vector<128x128xi1>, vector<128x128xf32>
    %swap3A_289 = arith.constant 0 : index
    %swap3A_290 = arith.constant 1408 : index
    %swap3A_291 = arith.constant 0 : index
    %swap3A_292 = vector.load %arg6[%swap3A_289, %swap3A_290, %swap3A_291] : memref<1x2048x128xf32, #tpu.memory_space<vmem>>, vector<1x128x128xf32>
    %swap3A_293 = vector.shape_cast %swap3A_292 : vector<1x128x128xf32> to vector<128x128xf32>
    %swap3A_294 = vector.shape_cast %select_n3A_288 : vector<128x128xf32> to vector<1x128x128xf32>
    tpu.vector_store %arg6[%swap3A_289, %swap3A_290, %swap3A_291], %swap3A_294 {strides = array<i32>} : memref<1x2048x128xf32, #tpu.memory_space<vmem>>, vector<1x128x128xf32>,
    %reduce_sum3A_295 = arith.constant dense<0.000000e+00> : vector<128xf32>
    %reduce_sum3A_296 = vector.multi_reduction <add>, %slice3A_279, %reduce_sum3A_295 [0] : vector<128x128xf32> to vector<128xf32>
    %broadcast_in_dim3A_297 = vector.shape_cast %reduce_sum3A_296 : vector<128xf32> to vector<1x128xf32>
    %add3A_298 = arith.addf %add3A_278, %broadcast_in_dim3A_297 : vector<1x128xf32>
    %slice3A_299 = vector.extract_strided_slice %get3A_23 {offsets = [1536, 0], sizes = [128, 128], strides = [1, 1]} : vector<2048x128xf32> to vector<128x128xf32>
    %dot_general3A_300 = arith.constant dense<0.000000e+00> : vector<128x128xf32>
    %dot_general3A_301 = tpu.matmul %convert_element_type3A_59, %slice3A_299, %dot_general3A_300 {dimension_numbers = #tpu.dot_dimension_numbers<[1], [0], [0], [1], [0, 0, 1, 1], [], []>, precision = #tpu.contract_precision<fp32>, transpose_lhs_hint = false} : vector<128x128xf32>, vector<128x128xf32>, vector<128x128xf32> -> vector<128x128xf32>
    %add3A_302 = vector.broadcast %add3A_298 : vector<1x128xf32> to vector<128x128xf32>
    %add3A_303 = arith.addf %dot_general3A_301, %add3A_302 : vector<128x128xf32>
    %slice3A_304 = vector.extract_strided_slice %gt3A_55 {offsets = [1536, 0], sizes = [128, 1], strides = [1, 1]} : vector<2048x1xi1> to vector<128x1xi1>
    %slice3A_305 = vector.extract_strided_slice %dot_general3A_47 {offsets = [1536, 0], sizes = [128, 128], strides = [1, 1]} : vector<2048x128xf32> to vector<128x128xf32>
    %broadcast_in_dim3A_306 = vector.shape_cast %slice3A_304 : vector<128x1xi1> to vector<128x1xi1>
    %broadcast_in_dim3A_307 = vector.broadcast %broadcast_in_dim3A_306 : vector<128x1xi1> to vector<128x128xi1>
    %select_n3A_308 = arith.select %broadcast_in_dim3A_307, %slice3A_305, %add3A_303 : vector<128x128xi1>, vector<128x128xf32>
    %swap3A_309 = arith.constant 0 : index
    %swap3A_310 = arith.constant 1536 : index
    %swap3A_311 = arith.constant 0 : index
    %swap3A_312 = vector.load %arg6[%swap3A_309, %swap3A_310, %swap3A_311] : memref<1x2048x128xf32, #tpu.memory_space<vmem>>, vector<1x128x128xf32>
    %swap3A_313 = vector.shape_cast %swap3A_312 : vector<1x128x128xf32> to vector<128x128xf32>
    %swap3A_314 = vector.shape_cast %select_n3A_308 : vector<128x128xf32> to vector<1x128x128xf32>
    tpu.vector_store %arg6[%swap3A_309, %swap3A_310, %swap3A_311], %swap3A_314 {strides = array<i32>} : memref<1x2048x128xf32, #tpu.memory_space<vmem>>, vector<1x128x128xf32>,
    %reduce_sum3A_315 = arith.constant dense<0.000000e+00> : vector<128xf32>
    %reduce_sum3A_316 = vector.multi_reduction <add>, %slice3A_299, %reduce_sum3A_315 [0] : vector<128x128xf32> to vector<128xf32>
    %broadcast_in_dim3A_317 = vector.shape_cast %reduce_sum3A_316 : vector<128xf32> to vector<1x128xf32>
    %add3A_318 = arith.addf %add3A_298, %broadcast_in_dim3A_317 : vector<1x128xf32>
    %slice3A_319 = vector.extract_strided_slice %get3A_23 {offsets = [1664, 0], sizes = [128, 128], strides = [1, 1]} : vector<2048x128xf32> to vector<128x128xf32>
    %dot_general3A_320 = arith.constant dense<0.000000e+00> : vector<128x128xf32>
    %dot_general3A_321 = tpu.matmul %convert_element_type3A_59, %slice3A_319, %dot_general3A_320 {dimension_numbers = #tpu.dot_dimension_numbers<[1], [0], [0], [1], [0, 0, 1, 1], [], []>, precision = #tpu.contract_precision<fp32>, transpose_lhs_hint = false} : vector<128x128xf32>, vector<128x128xf32>, vector<128x128xf32> -> vector<128x128xf32>
    %add3A_322 = vector.broadcast %add3A_318 : vector<1x128xf32> to vector<128x128xf32>
    %add3A_323 = arith.addf %dot_general3A_321, %add3A_322 : vector<128x128xf32>
    %slice3A_324 = vector.extract_strided_slice %gt3A_55 {offsets = [1664, 0], sizes = [128, 1], strides = [1, 1]} : vector<2048x1xi1> to vector<128x1xi1>
    %slice3A_325 = vector.extract_strided_slice %dot_general3A_47 {offsets = [1664, 0], sizes = [128, 128], strides = [1, 1]} : vector<2048x128xf32> to vector<128x128xf32>
    %broadcast_in_dim3A_326 = vector.shape_cast %slice3A_324 : vector<128x1xi1> to vector<128x1xi1>
    %broadcast_in_dim3A_327 = vector.broadcast %broadcast_in_dim3A_326 : vector<128x1xi1> to vector<128x128xi1>
    %select_n3A_328 = arith.select %broadcast_in_dim3A_327, %slice3A_325, %add3A_323 : vector<128x128xi1>, vector<128x128xf32>
    %swap3A_329 = arith.constant 0 : index
    %swap3A_330 = arith.constant 1664 : index
    %swap3A_331 = arith.constant 0 : index
    %swap3A_332 = vector.load %arg6[%swap3A_329, %swap3A_330, %swap3A_331] : memref<1x2048x128xf32, #tpu.memory_space<vmem>>, vector<1x128x128xf32>
    %swap3A_333 = vector.shape_cast %swap3A_332 : vector<1x128x128xf32> to vector<128x128xf32>
    %swap3A_334 = vector.shape_cast %select_n3A_328 : vector<128x128xf32> to vector<1x128x128xf32>
    tpu.vector_store %arg6[%swap3A_329, %swap3A_330, %swap3A_331], %swap3A_334 {strides = array<i32>} : memref<1x2048x128xf32, #tpu.memory_space<vmem>>, vector<1x128x128xf32>,
    %reduce_sum3A_335 = arith.constant dense<0.000000e+00> : vector<128xf32>
    %reduce_sum3A_336 = vector.multi_reduction <add>, %slice3A_319, %reduce_sum3A_335 [0] : vector<128x128xf32> to vector<128xf32>
    %broadcast_in_dim3A_337 = vector.shape_cast %reduce_sum3A_336 : vector<128xf32> to vector<1x128xf32>
    %add3A_338 = arith.addf %add3A_318, %broadcast_in_dim3A_337 : vector<1x128xf32>
    %slice3A_339 = vector.extract_strided_slice %get3A_23 {offsets = [1792, 0], sizes = [128, 128], strides = [1, 1]} : vector<2048x128xf32> to vector<128x128xf32>
    %dot_general3A_340 = arith.constant dense<0.000000e+00> : vector<128x128xf32>
    %dot_general3A_341 = tpu.matmul %convert_element_type3A_59, %slice3A_339, %dot_general3A_340 {dimension_numbers = #tpu.dot_dimension_numbers<[1], [0], [0], [1], [0, 0, 1, 1], [], []>, precision = #tpu.contract_precision<fp32>, transpose_lhs_hint = false} : vector<128x128xf32>, vector<128x128xf32>, vector<128x128xf32> -> vector<128x128xf32>
    %add3A_342 = vector.broadcast %add3A_338 : vector<1x128xf32> to vector<128x128xf32>
    %add3A_343 = arith.addf %dot_general3A_341, %add3A_342 : vector<128x128xf32>
    %slice3A_344 = vector.extract_strided_slice %gt3A_55 {offsets = [1792, 0], sizes = [128, 1], strides = [1, 1]} : vector<2048x1xi1> to vector<128x1xi1>
    %slice3A_345 = vector.extract_strided_slice %dot_general3A_47 {offsets = [1792, 0], sizes = [128, 128], strides = [1, 1]} : vector<2048x128xf32> to vector<128x128xf32>
    %broadcast_in_dim3A_346 = vector.shape_cast %slice3A_344 : vector<128x1xi1> to vector<128x1xi1>
    %broadcast_in_dim3A_347 = vector.broadcast %broadcast_in_dim3A_346 : vector<128x1xi1> to vector<128x128xi1>
    %select_n3A_348 = arith.select %broadcast_in_dim3A_347, %slice3A_345, %add3A_343 : vector<128x128xi1>, vector<128x128xf32>
    %swap3A_349 = arith.constant 0 : index
    %swap3A_350 = arith.constant 1792 : index
    %swap3A_351 = arith.constant 0 : index
    %swap3A_352 = vector.load %arg6[%swap3A_349, %swap3A_350, %swap3A_351] : memref<1x2048x128xf32, #tpu.memory_space<vmem>>, vector<1x128x128xf32>
    %swap3A_353 = vector.shape_cast %swap3A_352 : vector<1x128x128xf32> to vector<128x128xf32>
    %swap3A_354 = vector.shape_cast %select_n3A_348 : vector<128x128xf32> to vector<1x128x128xf32>
    tpu.vector_store %arg6[%swap3A_349, %swap3A_350, %swap3A_351], %swap3A_354 {strides = array<i32>} : memref<1x2048x128xf32, #tpu.memory_space<vmem>>, vector<1x128x128xf32>,
    %reduce_sum3A_355 = arith.constant dense<0.000000e+00> : vector<128xf32>
    %reduce_sum3A_356 = vector.multi_reduction <add>, %slice3A_339, %reduce_sum3A_355 [0] : vector<128x128xf32> to vector<128xf32>
    %broadcast_in_dim3A_357 = vector.shape_cast %reduce_sum3A_356 : vector<128xf32> to vector<1x128xf32>
    %add3A_358 = arith.addf %add3A_338, %broadcast_in_dim3A_357 : vector<1x128xf32>
    %slice3A_359 = vector.extract_strided_slice %get3A_23 {offsets = [1920, 0], sizes = [128, 128], strides = [1, 1]} : vector<2048x128xf32> to vector<128x128xf32>
    %dot_general3A_360 = arith.constant dense<0.000000e+00> : vector<128x128xf32>
    %dot_general3A_361 = tpu.matmul %convert_element_type3A_59, %slice3A_359, %dot_general3A_360 {dimension_numbers = #tpu.dot_dimension_numbers<[1], [0], [0], [1], [0, 0, 1, 1], [], []>, precision = #tpu.contract_precision<fp32>, transpose_lhs_hint = false} : vector<128x128xf32>, vector<128x128xf32>, vector<128x128xf32> -> vector<128x128xf32>
    %add3A_362 = vector.broadcast %add3A_358 : vector<1x128xf32> to vector<128x128xf32>
    %add3A_363 = arith.addf %dot_general3A_361, %add3A_362 : vector<128x128xf32>
    %slice3A_364 = vector.extract_strided_slice %gt3A_55 {offsets = [1920, 0], sizes = [128, 1], strides = [1, 1]} : vector<2048x1xi1> to vector<128x1xi1>
    %slice3A_365 = vector.extract_strided_slice %dot_general3A_47 {offsets = [1920, 0], sizes = [128, 128], strides = [1, 1]} : vector<2048x128xf32> to vector<128x128xf32>
    %broadcast_in_dim3A_366 = vector.shape_cast %slice3A_364 : vector<128x1xi1> to vector<128x1xi1>
    %broadcast_in_dim3A_367 = vector.broadcast %broadcast_in_dim3A_366 : vector<128x1xi1> to vector<128x128xi1>
    %select_n3A_368 = arith.select %broadcast_in_dim3A_367, %slice3A_365, %add3A_363 : vector<128x128xi1>, vector<128x128xf32>
    %swap3A_369 = arith.constant 0 : index
    %swap3A_370 = arith.constant 1920 : index
    %swap3A_371 = arith.constant 0 : index
    %swap3A_372 = vector.load %arg6[%swap3A_369, %swap3A_370, %swap3A_371] : memref<1x2048x128xf32, #tpu.memory_space<vmem>>, vector<1x128x128xf32>
    %swap3A_373 = vector.shape_cast %swap3A_372 : vector<1x128x128xf32> to vector<128x128xf32>
    %swap3A_374 = vector.shape_cast %select_n3A_368 : vector<128x128xf32> to vector<1x128x128xf32>
    tpu.vector_store %arg6[%swap3A_369, %swap3A_370, %swap3A_371], %swap3A_374 {strides = array<i32>} : memref<1x2048x128xf32, #tpu.memory_space<vmem>>, vector<1x128x128xf32>,
    return
  }
  func.func @transform_0(%arg0: i32) -> (i32, i32, i32) {
    %c0_i32 = arith.constant 0 : i32
    %c0_i32_0 = arith.constant 0 : i32
    %c0_i32_1 = arith.constant 0 : i32
    return %arg0, %c0_i32, %c0_i32_0 : i32, i32, i32
  }
  func.func @transform_1(%arg0: i32) -> (i32, i32, i32) {
    %c0_i32 = arith.constant 0 : i32
    %c0_i32_0 = arith.constant 0 : i32
    %c0_i32_1 = arith.constant 0 : i32
    return %arg0, %c0_i32, %c0_i32_0 : i32, i32, i32
  }
  func.func @transform_2(%arg0: i32) -> (i32, i32, i32) {
    %c0_i32 = arith.constant 0 : i32
    %c0_i32_0 = arith.constant 0 : i32
    %c0_i32_1 = arith.constant 0 : i32
    return %arg0, %c0_i32, %c0_i32_0 : i32, i32, i32
  }
  func.func @transform_3(%arg0: i32) -> (i32, i32, i32) {
    %c0_i32 = arith.constant 0 : i32
    %c0_i32_0 = arith.constant 0 : i32
    %c0_i32_1 = arith.constant 0 : i32
    return %arg0, %c0_i32, %c0_i32_0 : i32, i32, i32
  }
  func.func @transform_4(%arg0: i32) -> (i32, i32, i32) {
    %c0_i32 = arith.constant 0 : i32
    %c0_i32_0 = arith.constant 0 : i32
    %c0_i32_1 = arith.constant 0 : i32
    return %arg0, %c0_i32, %c0_i32_0 : i32, i32, i32
  }
  func.func @transform_5(%arg0: i32) -> (i32, i32, i32) {
    %c0_i32 = arith.constant 0 : i32
    %c0_i32_0 = arith.constant 0 : i32
    %c0_i32_1 = arith.constant 0 : i32
    return %arg0, %c0_i32, %c0_i32_0 : i32, i32, i32
  }
}

</mosaic_0001>

<sc_bundles>
// kernel: kernel.7.cloned.1.call-start
scs
__scs_entry_jumppad:
0x0: {  	(pc) =	sbr.rel $0x88, $3  }
0x1: {  	(tag) =	ssettag $0x0;
	lr =	simm.s32 $0x1  }
0x2: {  	[smem:$0x3F9E] =	sst lr;
	_ =	strace $0xD0000000  }
0x3: {  	_ = 	snop  }
0x4: {  	_ = 	snop  }
0x5: {  	_ = 	snop  }
0x6: {  	_ = 	snop  }
0x7: {  	_ = 	snop  }
__scs_overlays_trampoline_lowered:
0x8: {  	[smem:$0x3FAD] =	sst s0  }
0x9: {  	[smem:$0x3FAE] =	sst s1  }
0xa: {  	[smem:$0x3FAF] =	sst s2  }
0xb: {  	[smem:$0x3FB0] =	sst s3  }
0xc: {  	[smem:$0x3FB1] =	sst s4  }
0xd: {  	[smem:$0x3FB2] =	sst s5  }
0xe: {  	[smem:$0x3FB3] =	sst s6  }
0xf: {  	[smem:$0x3FB4] =	sst s7  }
0x10: {  	[smem:$0x3FB5] =	sst s8  }
0x11: {  	[smem:$0x3FB6] =	sst s9;
	s0 =	simm.s32 @!p0 $0x0  }
0x12: {  	s1 =	sld [smem:$0x3F9C];
	s0 =	simm.s32 @p0 $0x1  }
0x13: {  	[smem:$0x3FB7] =	sst s0;
	s0 =	simm.s32 @!p1 $0x0  }
0x14: {  	s2 =	sld [smem:$0x3F9B];
	s0 =	simm.s32 @p1 $0x1  }
0x15: {  	[smem:$0x3FB8] =	sst s0;
	s0 =	simm.s32 @!p2 $0x0  }
0x16: {  	s3 =	sld [smem:$0x3FDB];
	s0 =	simm.s32 @p2 $0x1  }
0x17: {  	s4 =	simm.s32 $0x1BF5;
	[smem:$0x3FBA] =	sst s0  }
0x18: {  	s0 =	sld [smem:$0x3F9D];
	_ =	swait.ge [sflag:s4], $0x0  }
0x19: {  	s7 =	sld [smem:$0x3F9E]  }
0x1a: {  	s8 =	sadd.s32 $0xFFFFE003, lr  }
0x1b: {  	s9 =	sadd.s32 $0xFFFFFEF7, lr;
	s5 =	simm.s32 $0xFFFFFFFF;
	p2 =	slt.u32 s8, $0xFFFFF086  }
0x1c: {  	p1 =	slt.u32 s9, $0xF7A;
	s5 =	simm.s32 @!p2 $0x0  }
0x1d: {  	s5 =	simm.s32 @p1 $0x1;
	p0 =	seq.s32 s7, s2  }
0x1e: {  	s7 =	smul.u32 @!p0 $0xF7A, s2;
	p2 =	seq.s32 @!p0 s5, $0x0  }
0x1f: {  	s9 =	smul.u32 $0xF7A, s1;
	s8 =	simm.s32 @!p0 $0x1BF5;
	p2 =	por !p2, p0  }
0x20: {  	[sflag:s8] =	ssyncset.s32 @!p0 $0xFFFFF086;
	s6 =	sadd.s32 @!p0 s3, s7;
	s7 =	simm.s32 @!p0 $0x108  }
0x21: {  	s3 =	sadd.s32 s3, s9;
	s6 =	sadd.s32 @!p0 $0x88, s6;
	s7 =	simm.s32 @p2 $0x1082  }
0x22: {  	[simem:s7], [sflag:s8] =	dma.local @!p0 [hbm:s6], $0xF7A  }
0x23: {  	s9 =	sor.u32 $0xD0000000, s2;
	s6 =	simm.s32 $0x108;
	_ =	swait.ge @!p0 [sflag:s8], $0x0  }
0x24: {  	s3 =	sadd.s32 $0x88, s3;
	s6 =	simm.s32 @!p1 $0x1082;
	[sflag:s4] =	ssyncset.s32 $0xFFFFF086  }
0x25: {  	[simem:s6], [sflag:s4] =	dma.local [hbm:s3], $0xF7A  }
0x26: {  	[smem:$0x3F9E] =	sst s1;
	(tag) =	ssettag s2;
	_ =	strace s9  }
0x27: {  	s1 =	sld [smem:$0x3FAE]  }
0x28: {  	s2 =	sld [smem:$0x3FAF]  }
0x29: {  	s4 =	sld [smem:$0x3FB1]  }
0x2a: {  	p0 =	seq.s32 s5, $0x0;
	s5 =	sld [smem:$0x3FB2]  }
0x2b: {  	s6 =	sld [smem:$0x3FB3]  }
0x2c: {  	s7 =	sld [smem:$0x3FB4]  }
0x2d: {  	s3 =	simm.s32 $0x108;
	s8 =	sld [smem:$0x3FB5]  }
0x2e: {  	s3 =	simm.s32 @!p0 $0x1082;
	s9 =	sld [smem:$0x3FB6]  }
0x2f: {  	lr =	sadd.s32 s0, s3;
	s0 =	sld [smem:$0x3FAD]  }
0x30: {  	s3 =	sld [smem:$0x3FB0]  }
0x31: {  	[smem:$0x3FB9] =	sst s10  }
0x32: {  	s10 =	sld [smem:$0x3FB7];
	_ =	sdelay $0x3  }
0x33: {  	p0 =	seq.s32 s10, $0x1;
	s10 =	sld [smem:$0x3FB9];
	_ =	sdelay $0x3  }
0x34: {  	[smem:$0x3FB9] =	sst s10  }
0x35: {  	s10 =	sld [smem:$0x3FB8];
	_ =	sdelay $0x3  }
0x36: {  	p1 =	seq.s32 s10, $0x1;
	s10 =	sld [smem:$0x3FB9];
	_ =	sdelay $0x3  }
0x37: {  	[smem:$0x3FB9] =	sst s10  }
0x38: {  	s10 =	sld [smem:$0x3FBA]  }
0x39: {  	_ = 	snop;
	(pc) =	sbr.ind lr, $3  }
0x3a: {  	_ = 	snop  }
0x3b: {  	_ = 	snop  }
0x3c: {  	p2 =	seq.s32 s10, $0x1;
	s10 =	sld [smem:$0x3FB9]  }
0x3d: {  	_ =	shalt  }
0x3e: {  	_ =	shalt  }
0x3f: {  	_ =	shalt  }
0x40: {  	_ =	shalt  }
0x41: {  	_ =	shalt  }
0x42: {  	_ =	shalt  }
0x43: {  	_ =	shalt  }
0x44: {  	_ =	shalt  }
0x45: {  	_ =	shalt  }
0x46: {  	_ =	shalt  }
0x47: {  	_ =	shalt  }
0x48: {  	_ =	shalt  }
0x49: {  	_ =	shalt  }
0x4a: {  	_ =	shalt  }
0x4b: {  	_ =	shalt  }
0x4c: {  	_ =	shalt  }
0x4d: {  	_ =	shalt  }
0x4e: {  	_ =	shalt  }
0x4f: {  	_ =	shalt  }
0x50: {  	_ =	shalt  }
0x51: {  	_ =	shalt  }
0x52: {  	_ =	shalt  }
0x53: {  	_ =	shalt  }
0x54: {  	_ =	shalt  }
0x55: {  	_ =	shalt  }
0x56: {  	_ =	shalt  }
0x57: {  	_ =	shalt  }
0x58: {  	_ =	shalt  }
0x59: {  	_ =	shalt  }
0x5a: {  	_ =	shalt  }
0x5b: {  	_ =	shalt  }
0x5c: {  	_ =	shalt  }
0x5d: {  	_ =	shalt  }
0x5e: {  	_ =	shalt  }
0x5f: {  	_ =	shalt  }
0x60: {  	_ =	shalt  }
0x61: {  	_ =	shalt  }
0x62: {  	_ =	shalt  }
0x63: {  	_ =	shalt  }
0x64: {  	_ =	shalt  }
0x65: {  	_ =	shalt  }
0x66: {  	_ =	shalt  }
0x67: {  	_ =	shalt  }
0x68: {  	_ =	shalt  }
0x69: {  	_ =	shalt  }
0x6a: {  	_ =	shalt  }
0x6b: {  	_ =	shalt  }
0x6c: {  	_ =	shalt  }
0x6d: {  	_ =	shalt  }
0x6e: {  	_ =	shalt  }
0x6f: {  	_ =	shalt  }
0x70: {  	_ =	shalt  }
0x71: {  	_ =	shalt  }
0x72: {  	_ =	shalt  }
0x73: {  	_ =	shalt  }
0x74: {  	_ =	shalt  }
0x75: {  	_ =	shalt  }
0x76: {  	_ =	shalt  }
0x77: {  	_ =	shalt  }
0x78: {  	_ =	shalt  }
0x79: {  	_ =	shalt  }
0x7a: {  	_ =	shalt  }
0x7b: {  	_ =	shalt  }
0x7c: {  	_ =	shalt  }
0x7d: {  	_ =	shalt  }
0x7e: {  	_ =	shalt  }
0x7f: {  	_ =	shalt  }
0x80: {  	_ =	shalt  }
0x81: {  	_ =	shalt  }
0x82: {  	_ =	shalt  }
0x83: {  	_ =	shalt  }
0x84: {  	_ =	shalt  }
0x85: {  	_ =	shalt  }
0x86: {  	_ =	shalt  }
0x87: {  	_ =	shalt  }
.Lfunc_end0:
.L_simem_size_0:
called_computation_lowered:
.L_overlay_start_0:
0x88: {  	s2 =	sld [smem:$0x3FD9]  }
0x89: {  	s3 =	sld [smem:$0x3FFE];
	_ =	sdelay $0x1  }
0x8a: {  	s1 =	srdreg.scid  }
0x8b: {  	s0 =	sand.u32 $0x1, s1  }
0x8c: {  	s17 =	sshll.u32 s0, $0xA;
	s2 =	sadd.s32 s3, s2  }
0x8d: {  	s2 =	sadd.s32 s2, s17  }
0x8e: {  	[smem:$0x3FC5] =	sst s2  }
0x8f: {  	_ = 	snop  }
0x90: {  	s2 =	sld [smem:$0x3FD0];
	(tm) =	ssettm $0x1  }
0x91: {  	s18 =	sld [smem:$0x3FFB];
	_ =	sdelay $0x3  }
0x92: {  	_ =	strace s18  }
0x93: {  	s3 =	sld [smem:$0x3FFC];
	_ =	sdelay $0x3  }
0x94: {  	_ =	strace s3  }
0x95: {  	s3 =	sld [smem:$0x3FFD];
	_ =	sdelay $0x3  }
0x96: {  	_ =	strace s3  }
0x97: {  	_ =	strace $0x8FFFFFFF  }
0x98: {  	s19 =	sld [smem:$0x3FDB];
	_ =	sdelay $0x1  }
0x99: {  	s4 =	simm.s32 $_scs_section_size  }
0x9a: {  	s5 =	simm.s32 $_size__tile_overlayer_lowered;
	s6 =	simm.s32 $_tile_overlayer_lowered  }
0x9b: {  	s22 =	simm.s32 $0x1BFF;
	s21 =	sshll.u32 s6, $0x1;
	s3 =	sadd.s32 s4, s19  }
0x9c: {  	s7 =	simm.s32 $0x0;
	s20 =	sshll.u32 s5, $0x1;
	s5 =	sadd.s32 s21, s3  }
0x9d: {  	[timem:s7], [sflag:s22] =	dma.local [hbm:s5], s20  }
0x9e: {  	_ =	swait.ge [sflag:s22], s20  }
0x9f: {  	s4 =	ssub.s32 $0x0, s20;
	[sflag:s22] =	ssyncset.done $0x0  }
0xa0: {  	[sflag:s22] =	ssyncadd.s32 s4;
	_ =	sdelay $0x1  }
0xa1: {  	s23 =	simm.s32 $0x1B8B  }
0xa2: {  	_ =	swait.ge [sflag:s23], $0x1  }
0xa3: {  	[sflag:s23] =	ssyncset.done $0x0  }
0xa4: {  	s25 =	simm.s32 $0x1B8E;
	s24 =	sld [smem:$0x3FFE];
	[sflag:s23] =	ssyncadd.s32 $0xFFFFFFFF  }
0xa5: {  	s26 =	simm.s32 $execute0_lowered;
	[smem:$0x3FD2] =	sst s25  }
0xa6: {  	s5 =	sshll.u32 s26, $0x1;
	_ =	strace $0x80000046;
	[dreg:$0x1] =	wrdreg $0xFFFFFFFF  }
0xa7: {  	s28 =	simm.s32 $_size_execute0_lowered;
	s3 =	sadd.s32 s3, s5;
	[dreg:$0x0] =	wrdreg $0x0  }
0xa8: {  	s5 =	sshll.u32 s28, $0x1;
	[dreg:$0x2] =	wrdreg s3  }
0xa9: {  	[dreg:$0x3] =	wrdreg s5  }
0xaa: {  	[dreg:$0x4] =	wrdreg $0xC0  }
0xab: {  	_ =	task [dreg:s7], $0x5FFFF  }
0xac: {  	[dreg:$0x1] =	wrdreg $0xFFFFFFFF  }
0xad: {  	[dreg:$0x0] =	wrdreg $0x60  }
0xae: {  	[dreg:$0x2] =	wrdreg s24  }
0xaf: {  	[dreg:$0x3] =	wrdreg s2  }
0xb0: {  	[dreg:$0x4] =	wrdreg $0x9  }
0xb1: {  	_ =	task.clear_ibuf [dreg:s7], $0x5FFFF;
	_ =	strace $0x90000046  }
0xb2: {  	s29 =	simm.s32 $0x9;
	_ =	strace $0x80000048  }
0xb3: {  	_ =	swait.ge [sflag:s29], $0x1  }
0xb4: {  	[sflag:s29] =	ssyncadd.s32 $0xFFFFFFFF  }
0xb5: {  	_ =	strace $0x90000048  }
0xb6: {  	_ =	sfence  }
0xb7: {  	s30 =	sld [smem:$0x0];
	_ =	sdelay $0x2  }
0xb8: {  	s31 =	sshll.u32 s1, $0xD;
	s1 =	sshrl.u32 s1, $0x2  }
0xb9: {  	s3 =	sand.u32 $0x4000, s31;
	s1 =	sadd.s32 s1, s30  }
0xba: {  	s0 =	sor.u32 s3, s0;
	s1 =	sshll.u32 s1, $0x11  }
0xbb: {  	s0 =	sor.u32 s1, s0  }
0xbc: {  	s0 =	sadd.s32 $0x8F2B, s0  }
0xbd: {  	[sflag:s0] =	ssyncadd.remote.s32 $0x1  }
0xbe: {  	_ =	sfence.sel $0xFFFF  }
0xbf: {  	[dreg:$0x0] =	wrdreg $0xFFFFFFFF;
	(pc) =	sbr.abs _section_cstart, $3  }
0xc0: {  	[dreg:$0x1] =	wrdreg $0xFFFFFFFF  }
0xc1: {  	_ =	task.clear_ibuf [dreg:s7], $0x2FFFF;
	_ =	strace $0x9FFFFFFF  }
0xc2: {  	(tm) =	ssettm $0x7FFFFFFF  }
0xc3: {  	_ =	shalt  }
tec
execute0_lowered:
.L_overlay_start_1:
0x0: {  	(tag) =	ssettag $0x1  }
0x1: {  	s0 =	srdreg.scid;
	s4 =	rddreg [dreg:$0x0]  }
0x2: {  	s5 =	rddreg [dreg:$0x1];
	s1 =	stileid.u32;
	s2 =	simm.s32 $0x0  }
0x3: {  	s10 =	simm.s32 $0xA000;
	s11 =	simm.s32 $0x3;
	s3 =	sand.u32 $0x1, s0  }
0x4: {  	s12 =	simm.s32 $0x0;
	s0 =	rddreg [dreg:$0x2];
	s6 =	sshll.u32 s3, $0x4  }
0x5: {  	[smem:$0x7FF] =	sst s2;
	s7 =	ssub.s32 $0x2, s3;
	s6 =	sor.u32 s1, s6  }
0x6: {  	_ =	strace $0x80000047;
	s8 =	sshrl.u32 s7, $0x1;
	s6 =	smul.u32 $0x1400, s6  }
0x7: {  	s3 =	sadd.s32 $0x1000, s4;
	s7 =	ssub.s32 s7, s8;
	s8 =	simm.s32 $0x80  }
0x8: {  	s9 =	sadd.s32 s6, s4;
	s4 =	sadd.s32 s5, s6;
	s6 =	smax.u32 s7, $0x1  }
0x9: {  	s7 =	simm.s32 $0x1;
	s5 =	sadd.s32 $0x801000, s9;
	s9 =	simm.s32 $0x2  }
.LBB2_1:
0xa: {  	[tilespmem:s2], [sflag:$0x1] =	stream.linear.gather [hbm4b:s4+s2], $0xA000, $0x38;
	[tilespmem:$0x14000] =	vst v63  }
0xb: {  	_ =	swait.ge [sflag:s7], $0xA000  }
0xc: {  	s13 =	simm.s32 $0x200;
	[sflag:s7] =	ssyncset.done $0x0  }
0xd: {  	s14 =	simm.s32 $0x0;
	s15 =	simm.s32 $0xA000;
	[sflag:s7] =	ssyncadd.s32 $0xFFFF6000  }
.LBB2_2:
0xe: {  	[tilespmem:s15], [sflag:$0x2] =	stream.indirect.gather [hbm4b:s3+s8], $0x1, s14, s8, $0xb8;
	[tilespmem:$0x14000] =	vst v63  }
0xf: {  	s14 =	smov.u32 s13;
	p0 =	sne.s32 s13, $0x27E00  }
.Ltmp0:
0x10: {  	s13 =	sadd.s32 $0x200, s13;
	(pc) =	sbr.rel @p0 .LBB2_2-.Ltmp0, $3  }
0x11: {  	_ =	sdelay $0x1  }
0x12: {  	s14 =	sshra.s32 s14, $0x2  }
0x13: {  	s15 =	sadd.s32 $0xA000, s14  }
0x14: {  	[tilespmem:s15], [sflag:$0x2] =	stream.indirect.gather [hbm4b:s3+s8], $0x1, s14, s8, $0xb8;
	[tilespmem:$0x14000] =	vst v63  }
0x15: {  	s12 =	sadd.s32 $0x1, s12;
	_ =	swait.ge [sflag:s9], $0xA000  }
0x16: {  	p0 =	sne.s32 s12, s6;
	[sflag:s9] =	ssyncset.done $0x0  }
.Ltmp1:
0x17: {  	[sflag:s9] =	ssyncadd.s32 $0xFFFF6000;
	(pc) =	sbr.rel @p0 .LBB2_1-.Ltmp1, $4  }
0x18: {  	[hbm4b:s5+s2] =	stream.linear.scatter [tilespmem:s10], [sflag:$0x3], $0xA000, $0x38;
	[tilespmem:$0x14000] =	vst v63  }
0x19: {  	_ =	swait.ge [sflag:s11], $0xA000  }
0x1a: {  	[sflag:s11] =	ssyncset.done $0x0  }
0x1b: {  	[sflag:s11] =	ssyncadd.s32 $0xFFFF6000  }
0x1c: {  	_ =	sfence.sel $0x180000  }
0x1d: {  	[bflag:$0x0] =	sbarrier.arrive $0xFFFF  }
0x1e: {  	p0 =	sne.s32 s1, $0x0;
	_ =	strace $0x90000047  }
0x1f: {  	s0 =	sadd.s32 @!p0 $0x100000, s0;
	[bflag:$0x2] =	sbarrier.arrive $0xFFFF  }
0x20: {  	[sflag:s0] =	ssyncadd.tile.s32 @!p0 $0x1;
	_ =	shalt  }
.Lfunc_end2:
_tile_overlayer_lowered:
.L_overlay_start_2:
0x21: {  	(tag) =	ssettag $0x2  }
0x22: {  	s0 =	rddreg [dreg:$0x0];
	s2 =	stileid.u32  }
0x23: {  	s1 =	rddreg [dreg:$0x1];
	p0 =	sne.s32 s2, $0x0  }
0x24: {  	s3 =	rddreg [dreg:$0x2];
	[bflag:$0x3] =	sbarrier.arrive $0xFFFF;
	s2 =	simm.s32 @!p0 $0x1C03  }
0x25: {  	[timem:s3], [sflag:s2] =	dma.local @!p0 [hbm:s0], s1  }
0x26: {  	s0 =	simm.s32 @!p0 $0x3  }
0x27: {  	_ =	swait.ge @!p0 [sflag:s0], s1  }
0x28: {  	s1 =	ssub.s32 @!p0 $0x0, s1;
	[sflag:s0] =	ssyncset.done @!p0 $0x0  }
0x29: {  	[sflag:s0] =	ssyncadd.s32 @!p0 s1  }
0x2a: {  	[bflag:$0x3] =	sbarrier.arrive $0xFFFF  }
0x2b: {  	_ =	shalt  }

</sc_bundles>
